<compile_context>
chip_gen: v7x
topology: tpu7x:2x2x1
jax: 0.10.2.dev20260603
libtpu: 0.0.44.dev20260713+nightly
codegen_flags: <defaults>
</compile_context>

<pallas_src>
import functools

import numpy as np
import jax
import jax.numpy as jnp
from jax import lax
from jax.experimental import pallas as pl
from jax.experimental.pallas import tpu as pltpu
from jax.experimental.pallas import tpu_sc as plsc

_CLS_W = 1.0
_REG_W = 1.0
_STRIDE = 8
_SEARCH = 255
_FEAT = 17
_RATIOS = [0.33, 0.5, 1.0, 2.0, 3.0]
_SCALES = [8]
_B = 32
_A = len(_RATIOS) * len(_SCALES)
_L = _A * _FEAT * _FEAT
_LP = 1536
_NPOS = 16
_NNEG_T = 3.0
_MTN = 624
_MTP = 632


def _build_anchor_rows():
    n = _A
    na = np.zeros((n, 4), np.float32)
    size = _STRIDE * _STRIDE
    c = 0
    for r in _RATIOS:
        ws = int(np.sqrt(size / r))
        hs = int(ws * r)
        for s in _SCALES:
            na[c] = [0.0, 0.0, ws * s, hs * s]
            c += 1
    ori = _SEARCH // 2 - (_FEAT // 2) * _STRIDE
    xs = (ori + _STRIDE * np.arange(_FEAT)).astype(np.float32)
    xx, yy = np.meshgrid(xs, xs)
    cx = np.tile(xx[None], (n, 1, 1))
    cy = np.tile(yy[None], (n, 1, 1))
    w = np.tile(na[:, 2, None, None], (1, _FEAT, _FEAT))
    h = np.tile(na[:, 3, None, None], (1, _FEAT, _FEAT))
    corner = np.stack([cx - w / 2, cy - h / 2, cx + w / 2, cy + h / 2], 0).reshape(4, -1)
    center = np.stack([cx, cy, w, h], 0).reshape(4, -1)
    anc = np.zeros((8, _LP), np.float32)
    anc[0:4, :_L] = corner
    anc[4:8, :_L] = center
    anc[6, _L:] = 1.0
    anc[7, _L:] = 1.0
    return anc


def _build_mt_rows():
    rows = np.zeros((_B, _MTP), np.uint32)
    for i in range(_B):
        st = np.random.RandomState(i).get_state()
        rows[i, :_MTN] = st[1].astype(np.uint32)
        rows[i, _MTN] = np.uint32(st[2])
    return rows.view(np.int32)


_ANC = _build_anchor_rows()
_MT_ROWS = _build_mt_rows()


def _sl1(x):
    d = jnp.abs(x)
    return jnp.where(d < 1.0, 0.5 * d * d, d - 0.5)


def _iou_labels(g_ref, anc_ref):
    gx1 = g_ref[:, 0:1]
    gy1 = g_ref[:, 1:2]
    gx2 = g_ref[:, 2:3]
    gy2 = g_ref[:, 3:4]
    ax1 = anc_ref[0:1, :]
    ay1 = anc_ref[1:2, :]
    ax2 = anc_ref[2:3, :]
    ay2 = anc_ref[3:4, :]
    ix = jnp.clip(jnp.minimum(gx2, ax2) - jnp.maximum(gx1, ax1), 0.0, None)
    iy = jnp.clip(jnp.minimum(gy2, ay2) - jnp.maximum(gy1, ay1), 0.0, None)
    inter = ix * iy
    area_g = (gx2 - gx1) * (gy2 - gy1)
    area_a = (ax2 - ax1) * (ay2 - ay1)
    iou = inter / (area_g + area_a - inter)
    return jnp.where(iou > 0.6, 1, jnp.where(iou < 0.3, 0, -1)).astype(jnp.int32)


def _tc_body(cls_ref, r0_ref, r1_ref, r2_ref, r3_ref, g_ref, anc_ref,
             m_ref, lp_ref, ln_ref, lre_ref):
    lab = _iou_labels(g_ref, anc_ref)
    lidx = lax.broadcasted_iota(jnp.int32, (_B, _LP), 1)
    m_ref[...] = jnp.where(lidx < _L, lab, -1)
    c = jnp.clip(cls_ref[...], 1e-7, 1.0 - 1e-7)
    lp_ref[...] = -jnp.log(c)
    ln_ref[...] = -jnp.log(1.0 - c)
    gx1 = g_ref[:, 0:1]
    gy1 = g_ref[:, 1:2]
    gx2 = g_ref[:, 2:3]
    gy2 = g_ref[:, 3:4]
    acx = anc_ref[4:5, :]
    acy = anc_ref[5:6, :]
    acw = anc_ref[6:7, :]
    ach = anc_ref[7:8, :]
    e0 = (gx1 - acx) / acw
    e1 = (gy1 - acy) / ach
    e2 = (gx2 - acx) / acw
    e3 = (gy2 - acy) / ach
    sl = (_sl1(r0_ref[...] - e0) + _sl1(r1_ref[...] - e1)
          + _sl1(r2_ref[...] - e2) + _sl1(r3_ref[...] - e3))
    msl = jnp.where(lab == 1, sl, 0.0)
    lre_ref[...] = jnp.broadcast_to(jnp.sum(msl, axis=1, keepdims=True),
                                    (_B, 16))


def _sread(ref, i):
    idxv = jnp.broadcast_to(jnp.asarray(i, jnp.int32), (16,))
    return plsc.load_gather(ref, [idxv])[0]


def _swrite(ref, i, val):
    idxv = jnp.broadcast_to(jnp.asarray(i, jnp.int32), (16,))
    valv = jnp.broadcast_to(val, (16,))
    mask = lax.iota(jnp.int32, 16) == 0
    plsc.store_scatter(ref, [idxv], valv, mask=mask)


def _sc_body(nc, m_hbm, lp_hbm, ln_hbm, lre_hbm, mt_hbm, out_hbm,
             m_v, lp_v, ln_v, pos_v, comb_v, mt_v, st_v, res_v,
             sem_a, sem_b):
    wid = lax.axis_index("s") * nc + lax.axis_index("c")
    cpy_m = pltpu.async_copy(m_hbm.at[wid], m_v, sem_a)
    cpy_lp = pltpu.async_copy(lp_hbm.at[wid], lp_v, sem_b)
    cpy_ln = pltpu.async_copy(ln_hbm.at[wid], ln_v, sem_b)
    cpy_lre = pltpu.async_copy(lre_hbm.at[wid], res_v, sem_b)
    pltpu.sync_copy(mt_hbm.at[wid], mt_v)

    lane = lax.iota(jnp.int32, 16)
    u1 = jnp.uint32(1)
    up = jnp.uint32(0x80000000)
    lo = jnp.uint32(0x7FFFFFFF)
    mag = jnp.uint32(0x9908B0DF)
    z = jnp.uint32(0)
    nch = _MTN // 16

    def temper_all():
        def tp(c, carry):
            y = mt_v[pl.ds(c * 16, 16)].astype(jnp.uint32)
            y = y ^ (y >> jnp.uint32(11))
            y = y ^ ((y << jnp.uint32(7)) & jnp.uint32(0x9D2C5680))
            y = y ^ ((y << jnp.uint32(15)) & jnp.uint32(0xEFC60000))
            y = y ^ (y >> jnp.uint32(18))
            st_v[pl.ds(c * 16, 16)] = y.astype(jnp.int32)
            return carry
        lax.fori_loop(0, nch, tp, 0)

    def twist():
        def tb(c, carry):
            base = c * 16
            iv = base + lane
            cur = mt_v[pl.ds(base, 16)].astype(jnp.uint32)
            nxt = jnp.where(iv == _MTN - 1, 0, iv + 1)
            far = jnp.where(iv < _MTN - 397, iv + 397, iv - (_MTN - 397))
            nv = plsc.load_gather(mt_v, [nxt]).astype(jnp.uint32)
            fv = plsc.load_gather(mt_v, [far]).astype(jnp.uint32)
            y = (cur & up) | (nv & lo)
            v = fv ^ (y >> u1) ^ jnp.where((y & u1) != z, mag, z)
            mt_v[pl.ds(base, 16)] = v.astype(jnp.int32)
            t = v ^ (v >> jnp.uint32(11))
            t = t ^ ((t << jnp.uint32(7)) & jnp.uint32(0x9D2C5680))
            t = t ^ ((t << jnp.uint32(15)) & jnp.uint32(0xEFC60000))
            t = t ^ (t >> jnp.uint32(18))
            st_v[pl.ds(base, 16)] = t.astype(jnp.int32)
            return carry
        lax.fori_loop(0, nch, tb, 0)

    swap_lanes = lane < 2

    def flat_shuffle(base, count, p):
        iv0 = jnp.broadcast_to(count - 1, (16,))
        mk = iv0
        mk = mk | (mk >> 1)
        mk = mk | (mk >> 2)
        mk = mk | (mk >> 4)
        mk = mk | (mk >> 8)
        mk = mk | (mk >> 16)

        def ocond(c):
            return c[0] > 0

        def obody(c):
            i_s, p_s, i_v, mask_v = c

            @pl.when(p_s >= _MTN)
            def _():
                twist()

            p_s = jnp.where(p_s >= _MTN, 0, p_s)
            trip = jnp.minimum(i_s, _MTN - p_s)

            def apply_swap(pidx, pmask):
                g = plsc.load_gather(comb_v, [pidx])
                vals = jnp.where(lane == 0, g[1], g[0])
                plsc.store_scatter(comb_v, [pidx], vals, mask=pmask)

            pv0 = jnp.broadcast_to(p_s, (16,))
            y0 = plsc.load_gather(st_v, [pv0])

            def inner(t, ic):
                i_v, mask_v, p_v, y_v, pidx, pmask = ic
                yn = plsc.load_gather(st_v, [p_v + 1])
                apply_swap(pidx, pmask)
                val = y_v & mask_v
                acc = val <= i_v
                j = jnp.minimum(val, i_v)
                nidx = base + jnp.where(lane == 0, i_v, j)
                nmask = jnp.logical_and(acc, swap_lanes)
                i_v = i_v - jnp.where(acc, 1, 0)
                mh = mask_v >> 1
                mask_v = jnp.where(i_v <= mh, mh, mask_v)
                return (i_v, mask_v, p_v + 1, yn, nidx, nmask)

            i_v, mask_v, _, _, pidx, pmask = lax.fori_loop(
                0, trip, inner,
                (i_v, mask_v, pv0, y0,
                 jnp.zeros((16,), jnp.int32), lane < 0))
            apply_swap(pidx, pmask)
            return (i_v[0], p_s + trip, i_v, mask_v)

        i_s, p, _, _ = lax.while_loop(ocond, obody, (count - 1, p, iv0, mk))
        return p

    def comp(c, carry):
        cp, cn = carry
        lab = m_v[pl.ds(c * 16, 16)]
        lidx = c * 16 + lane
        mp = lab == 1
        mn = lab == 0
        plsc.store_compressed(pos_v.at[pl.ds(cp, 16)], lidx, mask=mp)
        plsc.store_compressed(comb_v.at[pl.ds(cn, 16)], lidx, mask=mn)
        cp = cp + plsc.all_reduce_population_count(mp)[0]
        cn = cn + plsc.all_reduce_population_count(mn)[0]
        return (cp, cn)

    p0 = _sread(mt_v, _MTN)

    @pl.when(p0 < _MTN)
    def _():
        temper_all()

    cpy_m.wait()
    n, nn = lax.fori_loop(0, _LP // 16, comp, (jnp.int32(0), jnp.int32(0)))

    def pcopy(c, carry):
        comb_v[pl.ds(nn + c * 16, 16)] = pos_v[pl.ds(c * 16, 16)]
        return carry

    lax.fori_loop(0, (n + 15) // 16, pcopy, 0)

    p0 = flat_shuffle(nn, n, p0)
    p0 = flat_shuffle(jnp.int32(0), nn, p0)

    cpy_lp.wait()
    cpy_ln.wait()
    cpy_lre.wait()
    lre_num = res_v[...][0]
    kpos = jnp.minimum(n, _NPOS)
    kneg = jnp.minimum((n.astype(jnp.float32) * _NNEG_T).astype(jnp.int32), nn)

    pidx = comb_v[pl.ds(nn, 16)]
    pm = lane < kpos
    pv = plsc.load_gather(lp_v, [jnp.where(pm, pidx, 0)])
    sp = jnp.sum(jnp.where(pm, pv, 0.0))

    def nsum(c, acc):
        idx = comb_v[pl.ds(c * 16, 16)]
        lm = c * 16 + lane < kneg
        v = plsc.load_gather(ln_v, [jnp.where(lm, idx, 0)])
        return acc + jnp.where(lm, v, 0.0)

    snv = lax.fori_loop(0, (kneg + 15) // 16, nsum, jnp.zeros((16,), jnp.float32))
    sn = jnp.sum(snv)
    cnt = jnp.maximum(kpos + kneg, 1).astype(jnp.float32)
    has = n > 0
    lane = lax.iota(jnp.int32, 16)
    num = jnp.where(lane == 0, sp + sn, jnp.where(lane == 1, lre_num, 0.0))
    den = jnp.where(lane == 0, cnt,
                    jnp.where(lane == 1, jnp.maximum(4 * n, 1).astype(jnp.float32),
                              1.0))
    res = jnp.where(jnp.logical_and(has, lane < 2), num / den, 0.0)
    res_v[...] = res
    pltpu.sync_copy(res_v, out_hbm.at[wid])


def kernel(pred_cls, pred_reg, gt_bbox):
    cls = pred_cls.reshape(_B, _L)
    cls = jnp.pad(cls, ((0, 0), (0, _LP - _L)), constant_values=0.5)
    reg = pred_reg.reshape(_B, 4, _L)
    reg = jnp.pad(reg, ((0, 0), (0, 0), (0, _LP - _L)))
    anc = jnp.asarray(_ANC)
    m, lp, ln, lre = pl.pallas_call(
        _tc_body,
        out_shape=[
            jax.ShapeDtypeStruct((_B, _LP), jnp.int32),
            jax.ShapeDtypeStruct((_B, _LP), jnp.float32),
            jax.ShapeDtypeStruct((_B, _LP), jnp.float32),
            jax.ShapeDtypeStruct((_B, 16), jnp.float32),
        ],
    )(cls, reg[:, 0], reg[:, 1], reg[:, 2], reg[:, 3], gt_bbox, anc)

    info = plsc.get_sparse_core_info()
    nc = info.num_cores
    mesh = plsc.VectorSubcoreMesh(core_axis_name="c", subcore_axis_name="s")
    sc = functools.partial(
        pl.kernel,
        mesh=mesh,
        compiler_params=pltpu.CompilerParams(needs_layout_passes=False),
        out_type=jax.ShapeDtypeStruct((_B, 16), jnp.float32),
        scratch_types=[
            pltpu.VMEM((_LP,), jnp.int32),
            pltpu.VMEM((_LP,), jnp.float32),
            pltpu.VMEM((_LP,), jnp.float32),
            pltpu.VMEM((_LP,), jnp.int32),
            pltpu.VMEM((_LP,), jnp.int32),
            pltpu.VMEM((_MTP,), jnp.int32),
            pltpu.VMEM((_MTP,), jnp.int32),
            pltpu.VMEM((16,), jnp.float32),
            pltpu.SemaphoreType.DMA,
            pltpu.SemaphoreType.DMA,
        ],
    )(functools.partial(_sc_body, nc))
    out = sc(m, lp, ln, lre, jnp.asarray(_MT_ROWS))

    loss_cls = jnp.sum(out[:, 0])
    loss_reg = jnp.sum(out[:, 1])
    total = _CLS_W * loss_cls + _REG_W * loss_reg
    return (total.astype(jnp.float32), loss_cls.astype(jnp.float32),
            loss_reg.astype(jnp.float32))

# --- scband reference (transcript-rebuilt; emitter-appended) ---
"""Pipeline reference for scband-rpn-loss-16612933501109 (READ-ONLY COPY).

The authoritative reference and input builder live on the scoring server;
editing this copy changes nothing except your own understanding.
"""

import jax, jax.numpy as jnp
import numpy as np

CLS_W = 1.0
REG_W = 1.0
STRIDE = 8
SEARCH_SIZE = 255
FEAT = 17
RATIOS = [0.33, 0.5, 1.0, 2.0, 3.0]
SCALES = [8]
THR_LO = 0.3
THR_HI = 0.6
N_POS = 16
N_NEG_T = 3.0
BATCH = 32


def naive_anchors(ratios, scales, stride):
    n = len(ratios) * len(scales)
    a = np.zeros((n, 4), np.float32)
    size = stride * stride
    c = 0
    for r in ratios:
        ws = int(np.sqrt(size / r))
        hs = int(ws * r)
        for s in scales:
            a[c] = [0.0, 0.0, ws * s, hs * s]
            c += 1
    return a


def pair_anchors(naive, im_c, size, stride):
    A = naive.shape[0]
    ori = im_c - size // 2 * stride
    xs = (ori + stride * np.arange(size)).astype(np.float32)
    xx, yy = np.meshgrid(xs, xs)
    cx = np.tile(xx[None], (A, 1, 1))
    cy = np.tile(yy[None], (A, 1, 1))
    w = np.tile(naive[:, 2, None, None], (1, size, size))
    h = np.tile(naive[:, 3, None, None], (1, size, size))
    center = np.stack([cx, cy, w, h], 0)
    corner = np.stack([cx - w / 2, cy - h / 2, cx + w / 2, cy + h / 2], 0)
    return center.astype(np.float32), corner.astype(np.float32)


def build_anchors():
    na = naive_anchors(RATIOS, SCALES, STRIDE)
    center, corner = pair_anchors(na, SEARCH_SIZE // 2, FEAT, STRIDE)
    return center.reshape(4, -1).T.copy(), corner.reshape(4, -1).T.copy()


def jaccard(box_a, box_b):
    max_xy = jnp.minimum(box_a[:, None, 2:], box_b[None, :, 2:])
    min_xy = jnp.maximum(box_a[:, None, :2], box_b[None, :, :2])
    inter = jnp.clip(max_xy - min_xy, 0.0, None).prod(-1)
    area_a = ((box_a[:, 2] - box_a[:, 0]) * (box_a[:, 3] - box_a[:, 1]))[:, None]
    area_b = ((box_b[:, 2] - box_b[:, 0]) * (box_b[:, 3] - box_b[:, 1]))[None, :]
    return inter / (area_a + area_b - inter)


def bce(p, t):
    p = jnp.clip(p, 1e-7, 1.0 - 1e-7)
    return -(t * jnp.log(p) + (1.0 - t) * jnp.log(1.0 - p)).mean()


def smooth_l1(x, y):
    d = jnp.abs(x - y)
    return jnp.where(d < 1.0, 0.5 * d * d, d - 0.5).mean()


def make_gt(u):
    x1 = 80.0 + u[:, 0] * 40.0
    y1 = 80.0 + u[:, 1] * 40.0
    x2 = x1 + 50.0 + u[:, 2] * 40.0
    y2 = y1 + 50.0 + u[:, 3] * 40.0
    return jnp.stack([x1, y1, x2, y2], 1)


def setup_inputs(seed: int = 0):
    key = jax.random.key(seed)
    k1, k2, k3 = jax.random.split(key, 3)
    A = len(RATIOS) * len(SCALES)
    pred_cls = jax.random.uniform(k1, (BATCH, A, FEAT, FEAT), dtype=jnp.float32)
    pred_reg = jax.random.normal(k2, (BATCH, 4, A, FEAT, FEAT), dtype=jnp.float32)
    u = jax.random.uniform(k3, (BATCH, 4), dtype=jnp.float32)
    gt_bbox = make_gt(u)
    return {"pred_cls": pred_cls, "pred_reg": pred_reg, "gt_bbox": gt_bbox}


def _mt_twist(mt):
    def body(i, m):
        y = (m[i] & jnp.uint32(0x80000000)) | (m[(i + 1) % 624] & jnp.uint32(0x7FFFFFFF))
        v = m[(i + 397) % 624] ^ (y >> 1) ^ jnp.where(
            (y & jnp.uint32(1)) != 0, jnp.uint32(0x9908B0DF), jnp.uint32(0)
        )
        return m.at[i].set(v)

    return jax.lax.fori_loop(0, 624, body, mt)


def _mt_next(state):
    mt, pos = state
    need = pos >= 624
    mt = jax.lax.cond(need, _mt_twist, lambda m: m, mt)
    pos = jnp.where(need, 0, pos)
    y = mt[pos]
    y = y ^ (y >> 11)
    y = y ^ ((y << 7) & jnp.uint32(0x9D2C5680))
    y = y ^ ((y << 15) & jnp.uint32(0xEFC60000))
    y = y ^ (y >> 18)
    return y, (mt, pos + 1)


def _rand_interval(maxv, state):
    mask = maxv
    mask = mask | (mask >> 1)
    mask = mask | (mask >> 2)
    mask = mask | (mask >> 4)
    mask = mask | (mask >> 8)
    mask = mask | (mask >> 16)

    def draw(st):
        y, st = _mt_next(st)
        return y & mask, st

    val, state = draw(state)
    val, state = jax.lax.while_loop(
        lambda c: c[0] > maxv, lambda c: draw(c[1]), (val, state)
    )
    return val, state


def _mt_shuffle(buf, n, state):
    L = buf.shape[0]

    def body(t, carry):
        def do(c):
            b, st = c
            i = n - 1 - t
            j, st = _rand_interval(i.astype(jnp.uint32), st)
            j = j.astype(jnp.int32)
            bi = b[i]
            bj = b[j]
            b = b.at[i].set(bj)
            b = b.at[j].set(bi)
            return b, st

        return jax.lax.cond(n - 1 - t >= 1, do, lambda c: c, carry)

    return jax.lax.fori_loop(0, L - 1, body, (buf, state))


def reference(pred_cls, pred_reg, gt_bbox):
    anchor_center, anchor_corner = build_anchors()
    ac = jnp.asarray(anchor_center)
    aco = jnp.asarray(anchor_corner)
    iou = jaccard(gt_bbox, aco)
    matched = jnp.where(iou > THR_HI, 1.0, jnp.where(iou < THR_LO, 0.0, -1.0))
    B = pred_cls.shape[0]
    L = pred_cls.shape[1] * pred_cls.shape[2] * pred_cls.shape[3]
    mt_init = jnp.asarray(
        np.stack([np.random.RandomState(i).get_state()[1] for i in range(B)]).astype(
            np.uint32
        )
    )
    pos_init = jnp.asarray(
        np.array([np.random.RandomState(i).get_state()[2] for i in range(B)], np.int32)
    )
    cls_all = pred_cls.reshape(B, L)
    reg_all = jnp.swapaxes(pred_reg.reshape(B, 4, L), 1, 2)
    enc_all = jnp.stack(
        [
            (gt_bbox[:, 0, None] - ac[None, :, 0]) / ac[None, :, 2],
            (gt_bbox[:, 1, None] - ac[None, :, 1]) / ac[None, :, 3],
            (gt_bbox[:, 2, None] - ac[None, :, 0]) / ac[None, :, 2],
            (gt_bbox[:, 3, None] - ac[None, :, 1]) / ac[None, :, 3],
        ],
        2,
    )
    idx0 = jnp.arange(L)
    lc0 = jnp.zeros((), cls_all.dtype)
    lr0 = jnp.zeros((), jnp.result_type(reg_all.dtype, enc_all.dtype))

    def per_item(carry, xs):
        lc, lr = carry
        cls, reg, enc, m, mt0, p0 = xs
        posmask = m == 1.0
        negmask = m == 0.0
        n = jnp.sum(posmask).astype(jnp.int32)
        nn = jnp.sum(negmask).astype(jnp.int32)
        pos_idx = jnp.nonzero(posmask, size=L, fill_value=0)[0].astype(jnp.int32)
        neg_idx = jnp.nonzero(negmask, size=L, fill_value=0)[0].astype(jnp.int32)
        state = (mt0, p0)
        pos_idx, state = _mt_shuffle(pos_idx, n, state)
        neg_idx, state = _mt_shuffle(neg_idx, nn, state)
        kpos = jnp.minimum(n, N_POS)
        kneg = jnp.minimum((n.astype(jnp.float32) * N_NEG_T).astype(jnp.int32), nn)
        cp = jnp.clip(cls[pos_idx[:N_POS]], 1e-7, 1.0 - 1e-7)
        cn = jnp.clip(cls[neg_idx], 1e-7, 1.0 - 1e-7)
        lpos = -jnp.log(cp)
        lneg = -jnp.log(1.0 - cn)
        pvalid = jnp.arange(N_POS) < kpos
        nvalid = idx0 < kneg
        cnt = kpos + kneg
        lcls_i = (
            jnp.sum(jnp.where(pvalid, lpos, 0.0))
            + jnp.sum(jnp.where(nvalid, lneg, 0.0))
        ) / jnp.maximum(cnt, 1)
        d = jnp.abs(reg - enc)
        l = jnp.where(d < 1.0, 0.5 * d * d, d - 0.5)
        lreg_i = jnp.sum(jnp.where(posmask[:, None], l, 0.0)) / jnp.maximum(4 * n, 1)
        has = n > 0
        lcls_i = jnp.where(has, lcls_i, 0.0)
        lreg_i = jnp.where(has, lreg_i, 0.0)
        return (lc + lcls_i, lr + lreg_i), None

    (loss_cls, loss_reg), _ = jax.lax.scan(
        per_item, (lc0, lr0), (cls_all, reg_all, enc_all, matched, mt_init, pos_init)
    )
    loss_total = CLS_W * loss_cls + REG_W * loss_reg
    return (
        jnp.asarray(loss_total, jnp.float32),
        jnp.asarray(loss_cls, jnp.float32),
        jnp.asarray(loss_reg, jnp.float32),
    )

if __name__ == "__main__":
    import jax
    _d = setup_inputs()
    print(jax.jit(kernel)(*tuple(_d.values())))

</pallas_src>

<mosaic_0001>
#map = affine_map<(d0, d1) -> (0, 0)>
module attributes {stable_mosaic.version = 14 : i64} {
  func.func @_sc_body(%arg0: i32, %arg1: i32, %arg2: memref<32x1536xi32, #tpu.memory_space<hbm>>, %arg3: memref<32x1536xf32, #tpu.memory_space<hbm>>, %arg4: memref<32x1536xf32, #tpu.memory_space<hbm>>, %arg5: memref<32x16xf32, #tpu.memory_space<hbm>>, %arg6: memref<32x632xi32, #tpu.memory_space<hbm>>, %arg7: memref<32x16xf32, #tpu.memory_space<hbm>>, %arg8: memref<1536xi32, #tpu.memory_space<vmem>>, %arg9: memref<1536xf32, #tpu.memory_space<vmem>>, %arg10: memref<1536xf32, #tpu.memory_space<vmem>>, %arg11: memref<1536xi32, #tpu.memory_space<vmem>>, %arg12: memref<1536xi32, #tpu.memory_space<vmem>>, %arg13: memref<632xi32, #tpu.memory_space<vmem>>, %arg14: memref<632xi32, #tpu.memory_space<vmem>>, %arg15: memref<16xf32, #tpu.memory_space<vmem>>, %arg16: memref<!tpu.dma_semaphore, #tpu.memory_space<semaphore_mem>>, %arg17: memref<!tpu.dma_semaphore, #tpu.memory_space<semaphore_mem>>) attributes {dimension_semantics = [#tpu.dimension_semantics<core_parallel>, #tpu.dimension_semantics<subcore_parallel>], iteration_bounds = array<i64: 2, 16>, scalar_prefetch = 0 : i64, scratch_operands = 10 : i64, tpu.core_type = #tpu.core_type<sc_vector_subcore>, window_params = [{transform_indices = #map}, {transform_indices = #map}, {transform_indices = #map}, {transform_indices = #map}, {transform_indices = #map}, {transform_indices = #map}]} {
    %mul3A = arith.constant 2 : i32
    %mul3A_0 = arith.muli %arg1, %mul3A : i32
    %add3A = arith.addi %mul3A_0, %arg0 : i32
    %dma_start3A = arith.constant 0 : i32
    %dma_start3A_1 = tpu.memref_slice %arg2[%add3A, %dma_start3A] : memref<32x1536xi32, #tpu.memory_space<hbm>> -> memref<1x1536xi32, #tpu.memory_space<hbm>>
    %dma_start3A_2 = tpu.memref_squeeze %dma_start3A_1 : memref<1x1536xi32, #tpu.memory_space<hbm>> -> memref<1536xi32, #tpu.memory_space<hbm>>
    %dma_start3A_3 = arith.constant 0 : i32
    %dma_start3A_4 = tpu.memref_slice %arg2[%add3A, %dma_start3A_3] : memref<32x1536xi32, #tpu.memory_space<hbm>> -> memref<1x1536xi32, #tpu.memory_space<hbm>>
    %dma_start3A_5 = tpu.memref_squeeze %dma_start3A_4 : memref<1x1536xi32, #tpu.memory_space<hbm>> -> memref<1536xi32, #tpu.memory_space<hbm>>
    tpu.enqueue_dma source(%dma_start3A_5 : memref<1536xi32, #tpu.memory_space<hbm>>) target(%arg8 : memref<1536xi32, #tpu.memory_space<vmem>>) target_semaphore(%arg16 : memref<!tpu.dma_semaphore, #tpu.memory_space<semaphore_mem>>)
    %dma_start3A_6 = arith.constant 0 : i32
    %dma_start3A_7 = tpu.memref_slice %arg3[%add3A, %dma_start3A_6] : memref<32x1536xf32, #tpu.memory_space<hbm>> -> memref<1x1536xf32, #tpu.memory_space<hbm>>
    %dma_start3A_8 = tpu.memref_squeeze %dma_start3A_7 : memref<1x1536xf32, #tpu.memory_space<hbm>> -> memref<1536xf32, #tpu.memory_space<hbm>>
    %dma_start3A_9 = arith.constant 0 : i32
    %dma_start3A_10 = tpu.memref_slice %arg3[%add3A, %dma_start3A_9] : memref<32x1536xf32, #tpu.memory_space<hbm>> -> memref<1x1536xf32, #tpu.memory_space<hbm>>
    %dma_start3A_11 = tpu.memref_squeeze %dma_start3A_10 : memref<1x1536xf32, #tpu.memory_space<hbm>> -> memref<1536xf32, #tpu.memory_space<hbm>>
    tpu.enqueue_dma source(%dma_start3A_11 : memref<1536xf32, #tpu.memory_space<hbm>>) target(%arg9 : memref<1536xf32, #tpu.memory_space<vmem>>) target_semaphore(%arg17 : memref<!tpu.dma_semaphore, #tpu.memory_space<semaphore_mem>>)
    %dma_start3A_12 = arith.constant 0 : i32
    %dma_start3A_13 = tpu.memref_slice %arg4[%add3A, %dma_start3A_12] : memref<32x1536xf32, #tpu.memory_space<hbm>> -> memref<1x1536xf32, #tpu.memory_space<hbm>>
    %dma_start3A_14 = tpu.memref_squeeze %dma_start3A_13 : memref<1x1536xf32, #tpu.memory_space<hbm>> -> memref<1536xf32, #tpu.memory_space<hbm>>
    %dma_start3A_15 = arith.constant 0 : i32
    %dma_start3A_16 = tpu.memref_slice %arg4[%add3A, %dma_start3A_15] : memref<32x1536xf32, #tpu.memory_space<hbm>> -> memref<1x1536xf32, #tpu.memory_space<hbm>>
    %dma_start3A_17 = tpu.memref_squeeze %dma_start3A_16 : memref<1x1536xf32, #tpu.memory_space<hbm>> -> memref<1536xf32, #tpu.memory_space<hbm>>
    tpu.enqueue_dma source(%dma_start3A_17 : memref<1536xf32, #tpu.memory_space<hbm>>) target(%arg10 : memref<1536xf32, #tpu.memory_space<vmem>>) target_semaphore(%arg17 : memref<!tpu.dma_semaphore, #tpu.memory_space<semaphore_mem>>)
    %dma_start3A_18 = arith.constant 0 : i32
    %dma_start3A_19 = tpu.memref_slice %arg5[%add3A, %dma_start3A_18] : memref<32x16xf32, #tpu.memory_space<hbm>> -> memref<1x16xf32, #tpu.memory_space<hbm>>
    %dma_start3A_20 = tpu.memref_squeeze %dma_start3A_19 : memref<1x16xf32, #tpu.memory_space<hbm>> -> memref<16xf32, #tpu.memory_space<hbm>>
    %dma_start3A_21 = arith.constant 0 : i32
    %dma_start3A_22 = tpu.memref_slice %arg5[%add3A, %dma_start3A_21] : memref<32x16xf32, #tpu.memory_space<hbm>> -> memref<1x16xf32, #tpu.memory_space<hbm>>
    %dma_start3A_23 = tpu.memref_squeeze %dma_start3A_22 : memref<1x16xf32, #tpu.memory_space<hbm>> -> memref<16xf32, #tpu.memory_space<hbm>>
    tpu.enqueue_dma source(%dma_start3A_23 : memref<16xf32, #tpu.memory_space<hbm>>) target(%arg15 : memref<16xf32, #tpu.memory_space<vmem>>) target_semaphore(%arg17 : memref<!tpu.dma_semaphore, #tpu.memory_space<semaphore_mem>>)
    "tpu.region"() ({
      %run_scoped3A = tpu.sem_alloc : memref<!tpu.dma_semaphore, #tpu.memory_space<semaphore_mem>>
      %dma_start3A_258 = arith.constant 0 : i32
      %dma_start3A_259 = tpu.memref_slice %arg6[%add3A, %dma_start3A_258] : memref<32x632xi32, #tpu.memory_space<hbm>> -> memref<1x632xi32, #tpu.memory_space<hbm>>
      %dma_start3A_260 = tpu.memref_squeeze %dma_start3A_259 : memref<1x632xi32, #tpu.memory_space<hbm>> -> memref<632xi32, #tpu.memory_space<hbm>>
      %dma_start3A_261 = arith.constant 0 : i32
      %dma_start3A_262 = tpu.memref_slice %arg6[%add3A, %dma_start3A_261] : memref<32x632xi32, #tpu.memory_space<hbm>> -> memref<1x632xi32, #tpu.memory_space<hbm>>
      %dma_start3A_263 = tpu.memref_squeeze %dma_start3A_262 : memref<1x632xi32, #tpu.memory_space<hbm>> -> memref<632xi32, #tpu.memory_space<hbm>>
      tpu.enqueue_dma source(%dma_start3A_263 : memref<632xi32, #tpu.memory_space<hbm>>) target(%arg13 : memref<632xi32, #tpu.memory_space<vmem>>) target_semaphore(%run_scoped3A : memref<!tpu.dma_semaphore, #tpu.memory_space<semaphore_mem>>)
      %dma_wait3A_264 = arith.constant 0 : i32
      %dma_wait3A_265 = tpu.memref_slice %arg6[%add3A, %dma_wait3A_264] : memref<32x632xi32, #tpu.memory_space<hbm>> -> memref<1x632xi32, #tpu.memory_space<hbm>>
      %dma_wait3A_266 = tpu.memref_squeeze %dma_wait3A_265 : memref<1x632xi32, #tpu.memory_space<hbm>> -> memref<632xi32, #tpu.memory_space<hbm>>
      %dma_wait3A_267 = arith.constant 0 : i32
      %dma_wait3A_268 = tpu.memref_slice %arg6[%add3A, %dma_wait3A_267] : memref<32x632xi32, #tpu.memory_space<hbm>> -> memref<1x632xi32, #tpu.memory_space<hbm>>
      %dma_wait3A_269 = tpu.memref_squeeze %dma_wait3A_268 : memref<1x632xi32, #tpu.memory_space<hbm>> -> memref<632xi32, #tpu.memory_space<hbm>>
      tpu.wait_dma2 semaphore(%run_scoped3A : memref<!tpu.dma_semaphore, #tpu.memory_space<semaphore_mem>>) src(%dma_wait3A_269 : memref<632xi32, #tpu.memory_space<hbm>>) dst(%arg13 : memref<632xi32, #tpu.memory_space<vmem>>)
      tpu.yield
    }) : () -> ()
    %iota3A = tpu.iota {dimensions = array<i32: 0>} : vector<16xi32>
    %lt3A = arith.constant 2 : i32
    %lt3A_24 = vector.broadcast %lt3A : i32 to vector<16xi32>
    %lt3A_25 = arith.cmpi slt, %iota3A, %lt3A_24 : vector<16xi32>
    %broadcast_in_dim3A = arith.constant 624 : i32
    %broadcast_in_dim3A_26 = vector.broadcast %broadcast_in_dim3A : i32 to vector<16xi32>
    %gather3A = tpu.vector_load_idx %arg13[%broadcast_in_dim3A_26] : memref<632xi32, #tpu.memory_space<vmem>>[vector<16xi32>], vector<16xi32>,
    %slice3A = vector.extract_strided_slice %gather3A {offsets = [0], sizes = [1], strides = [1]} : vector<16xi32> to vector<1xi32>
    %squeeze3A = vector.extract %slice3A[0] : i32 from vector<1xi32>
    %lt3A_27 = arith.constant 624 : i32
    %lt3A_28 = arith.cmpi slt, %squeeze3A, %lt3A_27 : i32
    %convert_element_type3A = arith.extui %lt3A_28 : i1 to i32
    %cond3A = arith.constant 0 : i32
    %cond3A_29 = arith.cmpi ne, %convert_element_type3A, %cond3A : i32
    scf.if %cond3A_29 {
      %scan3A_258 = arith.constant 0 : i32
      %scan3A_259 = arith.constant 0 : i32
      %scan3A_260 = arith.constant 39 : i32
      %scan3A_261 = arith.addi %scan3A_259, %scan3A_260 : i32
      %scan3A_262 = arith.constant 1 : i32
      scf.for %scan3A_264 = %scan3A_259 to %scan3A_261 step %scan3A_262  : i32 {
        %mul3A_265 = arith.constant 16 : i32
        %mul3A_266 = arith.muli %scan3A_264, %mul3A_265 : i32
        %get3A_267 = arith.index_cast %mul3A_266 : i32 to index
        %get3A_268 = tpu.vector_load %arg13[%get3A_267] {strides = array<i32>} : memref<632xi32, #tpu.memory_space<vmem>>, vector<16xi32>,
        %shift_right_logical3A = arith.constant 11 : i32
        %shift_right_logical3A_269 = vector.broadcast %shift_right_logical3A : i32 to vector<16xi32>
        %shift_right_logical3A_270 = arith.shrui %get3A_268, %shift_right_logical3A_269 : vector<16xi32>
        %xor3A = arith.xori %get3A_268, %shift_right_logical3A_270 : vector<16xi32>
        %shift_left3A = arith.constant 7 : i32
        %shift_left3A_271 = vector.broadcast %shift_left3A : i32 to vector<16xi32>
        %shift_left3A_272 = arith.shli %xor3A, %shift_left3A_271 : vector<16xi32>
        %and3A_273 = arith.constant -1658038656 : i32
        %and3A_274 = vector.broadcast %and3A_273 : i32 to vector<16xi32>
        %and3A_275 = arith.andi %shift_left3A_272, %and3A_274 : vector<16xi32>
        %xor3A_276 = arith.xori %xor3A, %and3A_275 : vector<16xi32>
        %shift_left3A_277 = arith.constant 15 : i32
        %shift_left3A_278 = vector.broadcast %shift_left3A_277 : i32 to vector<16xi32>
        %shift_left3A_279 = arith.shli %xor3A_276, %shift_left3A_278 : vector<16xi32>
        %and3A_280 = arith.constant -272236544 : i32
        %and3A_281 = vector.broadcast %and3A_280 : i32 to vector<16xi32>
        %and3A_282 = arith.andi %shift_left3A_279, %and3A_281 : vector<16xi32>
        %xor3A_283 = arith.xori %xor3A_276, %and3A_282 : vector<16xi32>
        %shift_right_logical3A_284 = arith.constant 18 : i32
        %shift_right_logical3A_285 = vector.broadcast %shift_right_logical3A_284 : i32 to vector<16xi32>
        %shift_right_logical3A_286 = arith.shrui %xor3A_283, %shift_right_logical3A_285 : vector<16xi32>
        %xor3A_287 = arith.xori %xor3A_283, %shift_right_logical3A_286 : vector<16xi32>
        %mul3A_288 = arith.constant 16 : i32
        %mul3A_289 = arith.muli %scan3A_264, %mul3A_288 : i32
        %swap3A_290 = arith.index_cast %mul3A_289 : i32 to index
        %swap3A_291 = tpu.vector_load %arg14[%swap3A_290] {strides = array<i32>} : memref<632xi32, #tpu.memory_space<vmem>>, vector<16xi32>,
        tpu.vector_store %arg14[%swap3A_290], %xor3A_287 {strides = array<i32>} : memref<632xi32, #tpu.memory_space<vmem>>, vector<16xi32>,
      }
      %scan3A_263 = arith.constant 39 : i32
    } else {
    }
    %dma_wait3A = arith.constant 0 : i32
    %dma_wait3A_30 = tpu.memref_slice %arg2[%add3A, %dma_wait3A] : memref<32x1536xi32, #tpu.memory_space<hbm>> -> memref<1x1536xi32, #tpu.memory_space<hbm>>
    %dma_wait3A_31 = tpu.memref_squeeze %dma_wait3A_30 : memref<1x1536xi32, #tpu.memory_space<hbm>> -> memref<1536xi32, #tpu.memory_space<hbm>>
    %dma_wait3A_32 = arith.constant 0 : i32
    %dma_wait3A_33 = tpu.memref_slice %arg2[%add3A, %dma_wait3A_32] : memref<32x1536xi32, #tpu.memory_space<hbm>> -> memref<1x1536xi32, #tpu.memory_space<hbm>>
    %dma_wait3A_34 = tpu.memref_squeeze %dma_wait3A_33 : memref<1x1536xi32, #tpu.memory_space<hbm>> -> memref<1536xi32, #tpu.memory_space<hbm>>
    tpu.wait_dma2 semaphore(%arg16 : memref<!tpu.dma_semaphore, #tpu.memory_space<semaphore_mem>>) src(%dma_wait3A_34 : memref<1536xi32, #tpu.memory_space<hbm>>) dst(%arg8 : memref<1536xi32, #tpu.memory_space<vmem>>)
    %scan3A = arith.constant 0 : i32
    %scan3A_35 = arith.constant 0 : i32
    %scan3A_36 = arith.constant 0 : i32
    %scan3A_37 = arith.constant 96 : i32
    %scan3A_38 = arith.addi %scan3A_36, %scan3A_37 : i32
    %scan3A_39 = arith.constant 1 : i32
    %scan3A_40:2 = scf.for %scan3A_258 = %scan3A_36 to %scan3A_38 step %scan3A_39 iter_args(%scan3A_259 = %scan3A, %scan3A_260 = %scan3A_35) -> (i32, i32)  : i32 {
      %mul3A_261 = arith.constant 16 : i32
      %mul3A_262 = arith.muli %scan3A_258, %mul3A_261 : i32
      %get3A_263 = arith.index_cast %mul3A_262 : i32 to index
      %get3A_264 = tpu.vector_load %arg8[%get3A_263] {strides = array<i32>} : memref<1536xi32, #tpu.memory_space<vmem>>, vector<16xi32>,
      %mul3A_265 = arith.constant 16 : i32
      %mul3A_266 = arith.muli %scan3A_258, %mul3A_265 : i32
      %add3A_267 = vector.broadcast %mul3A_266 : i32 to vector<16xi32>
      %add3A_268 = arith.addi %add3A_267, %iota3A : vector<16xi32>
      %eq3A_269 = arith.constant 1 : i32
      %eq3A_270 = vector.broadcast %eq3A_269 : i32 to vector<16xi32>
      %eq3A_271 = arith.cmpi eq, %get3A_264, %eq3A_270 : vector<16xi32>
      %eq3A_272 = arith.constant 0 : i32
      %eq3A_273 = vector.broadcast %eq3A_272 : i32 to vector<16xi32>
      %eq3A_274 = arith.cmpi eq, %get3A_264, %eq3A_273 : vector<16xi32>
      %swap3A_275 = arith.index_cast %scan3A_259 : i32 to index
      %swap3A_276 = tpu.vector_load %arg11[%swap3A_275] masked %eq3A_271 {strides = array<i32>} : memref<1536xi32, #tpu.memory_space<vmem>>, vector<16xi32>, vector<16xi1>
      tpu.vector_store %arg11[%swap3A_275], %add3A_268 masked %eq3A_271 {strides = array<i32>} : memref<1536xi32, #tpu.memory_space<vmem>>, vector<16xi32>, vector<16xi1>
      %swap3A_277 = arith.index_cast %scan3A_260 : i32 to index
      %swap3A_278 = tpu.vector_load %arg12[%swap3A_277] masked %eq3A_274 {strides = array<i32>} : memref<1536xi32, #tpu.memory_space<vmem>>, vector<16xi32>, vector<16xi1>
      tpu.vector_store %arg12[%swap3A_277], %add3A_268 masked %eq3A_274 {strides = array<i32>} : memref<1536xi32, #tpu.memory_space<vmem>>, vector<16xi32>, vector<16xi1>
      %all_reduce_population_count3A = tpu.all_reduce %eq3A_271 {dim = 0 : i64, kind = #tpu.reduction_kind<sum>} : vector<16xi1> -> vector<16xi32>
      %slice3A_279 = vector.extract_strided_slice %all_reduce_population_count3A {offsets = [0], sizes = [1], strides = [1]} : vector<16xi32> to vector<1xi32>
      %squeeze3A_280 = vector.extract %slice3A_279[0] : i32 from vector<1xi32>
      %add3A_281 = arith.addi %scan3A_259, %squeeze3A_280 : i32
      %all_reduce_population_count3A_282 = tpu.all_reduce %eq3A_274 {dim = 0 : i64, kind = #tpu.reduction_kind<sum>} : vector<16xi1> -> vector<16xi32>
      %slice3A_283 = vector.extract_strided_slice %all_reduce_population_count3A_282 {offsets = [0], sizes = [1], strides = [1]} : vector<16xi32> to vector<1xi32>
      %squeeze3A_284 = vector.extract %slice3A_283[0] : i32 from vector<1xi32>
      %add3A_285 = arith.addi %scan3A_260, %squeeze3A_284 : i32
      scf.yield %add3A_281, %add3A_285 : i32, i32
    }
    %scan3A_41 = arith.constant 96 : i32
    %add3A_42 = arith.constant 15 : i32
    %add3A_43 = arith.addi %scan3A_40#0, %add3A_42 : i32
    %jit3A = arith.constant 16 : i32
    %div3A = arith.divsi %add3A_43, %jit3A : i32
    %sign3A = arith.constant 0 : i32
    %sign3A_44 = arith.cmpi sgt, %add3A_43, %sign3A : i32
    %sign3A_45 = arith.extui %sign3A_44 : i1 to i32
    %sign3A_46 = arith.constant 0 : i32
    %sign3A_47 = arith.cmpi slt, %add3A_43, %sign3A_46 : i32
    %sign3A_48 = arith.extui %sign3A_47 : i1 to i32
    %sign3A_49 = arith.subi %sign3A_45, %sign3A_48 : i32
    %sign3A_50 = arith.constant 0 : i32
    %sign3A_51 = arith.cmpi sgt, %jit3A, %sign3A_50 : i32
    %sign3A_52 = arith.extui %sign3A_51 : i1 to i32
    %sign3A_53 = arith.constant 0 : i32
    %sign3A_54 = arith.cmpi slt, %jit3A, %sign3A_53 : i32
    %sign3A_55 = arith.extui %sign3A_54 : i1 to i32
    %sign3A_56 = arith.subi %sign3A_52, %sign3A_55 : i32
    %ne3A = arith.cmpi ne, %sign3A_49, %sign3A_56 : i32
    %rem3A = arith.remsi %add3A_43, %jit3A : i32
    %ne3A_57 = arith.constant 0 : i32
    %ne3A_58 = arith.cmpi ne, %rem3A, %ne3A_57 : i32
    %and3A = arith.andi %ne3A, %ne3A_58 : i1
    %sub3A = arith.constant 1 : i32
    %sub3A_59 = arith.subi %div3A, %sub3A : i32
    %select_n3A = arith.select %and3A, %sub3A_59, %div3A : i32
    %while3A = arith.constant 0 : i32
    %while3A_60 = arith.constant 0 : i32
    %while3A_61 = arith.subi %select_n3A, %while3A_60 : i32
    %while3A_62 = arith.addi %while3A_60, %while3A_61 : i32
    %while3A_63 = arith.constant 1 : i32
    %while3A_64 = arith.divsi %while3A_61, %while3A_63 : i32
    %while3A_65 = arith.muli %while3A_64, %while3A_63 : i32
    %while3A_66 = arith.addi %while3A_60, %while3A_65 : i32
    %while3A_67 = arith.constant 1 : i32
    scf.for %while3A_258 = %while3A_60 to %while3A_66 step %while3A_67  : i32 {
      %mul3A_259 = arith.constant 16 : i32
      %mul3A_260 = arith.muli %while3A_258, %mul3A_259 : i32
      %get3A_261 = arith.index_cast %mul3A_260 : i32 to index
      %get3A_262 = tpu.vector_load %arg11[%get3A_261] {strides = array<i32>} : memref<1536xi32, #tpu.memory_space<vmem>>, vector<16xi32>,
      %mul3A_263 = arith.constant 16 : i32
      %mul3A_264 = arith.muli %while3A_258, %mul3A_263 : i32
      %add3A_265 = arith.addi %scan3A_40#1, %mul3A_264 : i32
      %swap3A_266 = arith.index_cast %add3A_265 : i32 to index
      %swap3A_267 = tpu.vector_load %arg12[%swap3A_266] {strides = array<i32>} : memref<1536xi32, #tpu.memory_space<vmem>>, vector<16xi32>,
      tpu.vector_store %arg12[%swap3A_266], %get3A_262 {strides = array<i32>} : memref<1536xi32, #tpu.memory_space<vmem>>, vector<16xi32>,
    }
    %while3A_68 = arith.constant 1 : i32
    scf.for %while3A_258 = %while3A_66 to %while3A_62 step %while3A_68  : i32 {
      %mul3A_259 = arith.constant 16 : i32
      %mul3A_260 = arith.muli %while3A_258, %mul3A_259 : i32
      %get3A_261 = arith.index_cast %mul3A_260 : i32 to index
      %get3A_262 = tpu.vector_load %arg11[%get3A_261] {strides = array<i32>} : memref<1536xi32, #tpu.memory_space<vmem>>, vector<16xi32>,
      %mul3A_263 = arith.constant 16 : i32
      %mul3A_264 = arith.muli %while3A_258, %mul3A_263 : i32
      %add3A_265 = arith.addi %scan3A_40#1, %mul3A_264 : i32
      %swap3A_266 = arith.index_cast %add3A_265 : i32 to index
      %swap3A_267 = tpu.vector_load %arg12[%swap3A_266] {strides = array<i32>} : memref<1536xi32, #tpu.memory_space<vmem>>, vector<16xi32>,
      tpu.vector_store %arg12[%swap3A_266], %get3A_262 {strides = array<i32>} : memref<1536xi32, #tpu.memory_space<vmem>>, vector<16xi32>,
    }
    %sub3A_69 = arith.constant 1 : i32
    %sub3A_70 = arith.subi %scan3A_40#0, %sub3A_69 : i32
    %broadcast_in_dim3A_71 = vector.broadcast %sub3A_70 : i32 to vector<16xi32>
    %shift_right_arithmetic3A = arith.constant 1 : i32
    %shift_right_arithmetic3A_72 = vector.broadcast %shift_right_arithmetic3A : i32 to vector<16xi32>
    %shift_right_arithmetic3A_73 = arith.shrsi %broadcast_in_dim3A_71, %shift_right_arithmetic3A_72 : vector<16xi32>
    %or3A = arith.ori %broadcast_in_dim3A_71, %shift_right_arithmetic3A_73 : vector<16xi32>
    %shift_right_arithmetic3A_74 = arith.constant 2 : i32
    %shift_right_arithmetic3A_75 = vector.broadcast %shift_right_arithmetic3A_74 : i32 to vector<16xi32>
    %shift_right_arithmetic3A_76 = arith.shrsi %or3A, %shift_right_arithmetic3A_75 : vector<16xi32>
    %or3A_77 = arith.ori %or3A, %shift_right_arithmetic3A_76 : vector<16xi32>
    %shift_right_arithmetic3A_78 = arith.constant 4 : i32
    %shift_right_arithmetic3A_79 = vector.broadcast %shift_right_arithmetic3A_78 : i32 to vector<16xi32>
    %shift_right_arithmetic3A_80 = arith.shrsi %or3A_77, %shift_right_arithmetic3A_79 : vector<16xi32>
    %or3A_81 = arith.ori %or3A_77, %shift_right_arithmetic3A_80 : vector<16xi32>
    %shift_right_arithmetic3A_82 = arith.constant 8 : i32
    %shift_right_arithmetic3A_83 = vector.broadcast %shift_right_arithmetic3A_82 : i32 to vector<16xi32>
    %shift_right_arithmetic3A_84 = arith.shrsi %or3A_81, %shift_right_arithmetic3A_83 : vector<16xi32>
    %or3A_85 = arith.ori %or3A_81, %shift_right_arithmetic3A_84 : vector<16xi32>
    %shift_right_arithmetic3A_86 = arith.constant 16 : i32
    %shift_right_arithmetic3A_87 = vector.broadcast %shift_right_arithmetic3A_86 : i32 to vector<16xi32>
    %shift_right_arithmetic3A_88 = arith.shrsi %or3A_85, %shift_right_arithmetic3A_87 : vector<16xi32>
    %or3A_89 = arith.ori %or3A_85, %shift_right_arithmetic3A_88 : vector<16xi32>
    %sub3A_90 = arith.constant 1 : i32
    %sub3A_91 = arith.subi %scan3A_40#0, %sub3A_90 : i32
    %while3A_92 = arith.constant -2147483648 : i32
    %while3A_93 = arith.constant 2147483647 : i32
    %while3A_94 = arith.constant 1 : i32
    %while3A_95 = arith.constant 0 : i32
    %while3A_96 = arith.constant -1727483681 : i32
    %while3A_97:4 = scf.while (%while3A_258 = %sub3A_91, %while3A_259 = %squeeze3A, %while3A_260 = %broadcast_in_dim3A_71, %while3A_261 = %or3A_89) : (i32, i32, vector<16xi32>, vector<16xi32>) -> (i32, i32, vector<16xi32>, vector<16xi32>) {
      %gt3A_262 = arith.constant 0 : i32
      %gt3A_263 = arith.cmpi sgt, %while3A_258, %gt3A_262 : i32
      scf.condition(%gt3A_263) %while3A_258, %while3A_259, %while3A_260, %while3A_261 : i32, i32, vector<16xi32>, vector<16xi32>
    } do {
    ^bb0(%while3A_258: i32, %while3A_259: i32, %while3A_260: vector<16xi32>, %while3A_261: vector<16xi32>):
      %ge3A = arith.constant 624 : i32
      %ge3A_262 = arith.cmpi sge, %while3A_259, %ge3A : i32
      %convert_element_type3A_263 = arith.extui %ge3A_262 : i1 to i32
      %cond3A_264 = arith.constant 0 : i32
      %cond3A_265 = arith.cmpi ne, %convert_element_type3A_263, %cond3A_264 : i32
      scf.if %cond3A_265 {
        %scan3A_305 = arith.constant 0 : i32
        %scan3A_306 = arith.constant 0 : i32
        %scan3A_307 = arith.constant 39 : i32
        %scan3A_308 = arith.addi %scan3A_306, %scan3A_307 : i32
        %scan3A_309 = arith.constant 1 : i32
        scf.for %scan3A_311 = %scan3A_306 to %scan3A_308 step %scan3A_309  : i32 {
          %mul3A_312 = arith.constant 16 : i32
          %mul3A_313 = arith.muli %scan3A_311, %mul3A_312 : i32
          %add3A_314 = vector.broadcast %mul3A_313 : i32 to vector<16xi32>
          %add3A_315 = arith.addi %add3A_314, %iota3A : vector<16xi32>
          %get3A_316 = arith.index_cast %mul3A_313 : i32 to index
          %get3A_317 = tpu.vector_load %arg13[%get3A_316] {strides = array<i32>} : memref<632xi32, #tpu.memory_space<vmem>>, vector<16xi32>,
          %eq3A_318 = arith.constant 623 : i32
          %eq3A_319 = vector.broadcast %eq3A_318 : i32 to vector<16xi32>
          %eq3A_320 = arith.cmpi eq, %add3A_315, %eq3A_319 : vector<16xi32>
          %add3A_321 = arith.constant 1 : i32
          %add3A_322 = vector.broadcast %add3A_321 : i32 to vector<16xi32>
          %add3A_323 = arith.addi %add3A_315, %add3A_322 : vector<16xi32>
          %jit3A_324 = arith.constant 0 : i32
          %broadcast_in_dim3A_325 = vector.broadcast %jit3A_324 : i32 to vector<16xi32>
          %select_n3A_326 = arith.select %eq3A_320, %broadcast_in_dim3A_325, %add3A_323 : vector<16xi1>, vector<16xi32>
          %lt3A_327 = arith.constant 227 : i32
          %lt3A_328 = vector.broadcast %lt3A_327 : i32 to vector<16xi32>
          %lt3A_329 = arith.cmpi slt, %add3A_315, %lt3A_328 : vector<16xi32>
          %add3A_330 = arith.constant 397 : i32
          %add3A_331 = vector.broadcast %add3A_330 : i32 to vector<16xi32>
          %add3A_332 = arith.addi %add3A_315, %add3A_331 : vector<16xi32>
          %sub3A_333 = arith.constant 227 : i32
          %sub3A_334 = vector.broadcast %sub3A_333 : i32 to vector<16xi32>
          %sub3A_335 = arith.subi %add3A_315, %sub3A_334 : vector<16xi32>
          %select_n3A_336 = arith.select %lt3A_329, %add3A_332, %sub3A_335 : vector<16xi1>, vector<16xi32>
          %gather3A_337 = tpu.vector_load_idx %arg13[%select_n3A_326] : memref<632xi32, #tpu.memory_space<vmem>>[vector<16xi32>], vector<16xi32>,
          %gather3A_338 = tpu.vector_load_idx %arg13[%select_n3A_336] : memref<632xi32, #tpu.memory_space<vmem>>[vector<16xi32>], vector<16xi32>,
          %and3A_339 = vector.broadcast %while3A_92 : i32 to vector<16xi32>
          %and3A_340 = arith.andi %get3A_317, %and3A_339 : vector<16xi32>
          %and3A_341 = vector.broadcast %while3A_93 : i32 to vector<16xi32>
          %and3A_342 = arith.andi %gather3A_337, %and3A_341 : vector<16xi32>
          %or3A_343 = arith.ori %and3A_340, %and3A_342 : vector<16xi32>
          %shift_right_logical3A = vector.broadcast %while3A_94 : i32 to vector<16xi32>
          %shift_right_logical3A_344 = arith.shrui %or3A_343, %shift_right_logical3A : vector<16xi32>
          %xor3A = arith.xori %gather3A_338, %shift_right_logical3A_344 : vector<16xi32>
          %and3A_345 = vector.broadcast %while3A_94 : i32 to vector<16xi32>
          %and3A_346 = arith.andi %or3A_343, %and3A_345 : vector<16xi32>
          %ne3A_347 = vector.broadcast %while3A_95 : i32 to vector<16xi32>
          %ne3A_348 = arith.cmpi ne, %and3A_346, %ne3A_347 : vector<16xi32>
          %broadcast_in_dim3A_349 = vector.broadcast %while3A_96 : i32 to vector<16xi32>
          %broadcast_in_dim3A_350 = vector.broadcast %while3A_95 : i32 to vector<16xi32>
          %select_n3A_351 = arith.select %ne3A_348, %broadcast_in_dim3A_349, %broadcast_in_dim3A_350 : vector<16xi1>, vector<16xi32>
          %xor3A_352 = arith.xori %xor3A, %select_n3A_351 : vector<16xi32>
          %swap3A_353 = arith.index_cast %mul3A_313 : i32 to index
          %swap3A_354 = tpu.vector_load %arg13[%swap3A_353] {strides = array<i32>} : memref<632xi32, #tpu.memory_space<vmem>>, vector<16xi32>,
          tpu.vector_store %arg13[%swap3A_353], %xor3A_352 {strides = array<i32>} : memref<632xi32, #tpu.memory_space<vmem>>, vector<16xi32>,
          %shift_right_logical3A_355 = arith.constant 11 : i32
          %shift_right_logical3A_356 = vector.broadcast %shift_right_logical3A_355 : i32 to vector<16xi32>
          %shift_right_logical3A_357 = arith.shrui %xor3A_352, %shift_right_logical3A_356 : vector<16xi32>
          %xor3A_358 = arith.xori %xor3A_352, %shift_right_logical3A_357 : vector<16xi32>
          %shift_left3A = arith.constant 7 : i32
          %shift_left3A_359 = vector.broadcast %shift_left3A : i32 to vector<16xi32>
          %shift_left3A_360 = arith.shli %xor3A_358, %shift_left3A_359 : vector<16xi32>
          %and3A_361 = arith.constant -1658038656 : i32
          %and3A_362 = vector.broadcast %and3A_361 : i32 to vector<16xi32>
          %and3A_363 = arith.andi %shift_left3A_360, %and3A_362 : vector<16xi32>
          %xor3A_364 = arith.xori %xor3A_358, %and3A_363 : vector<16xi32>
          %shift_left3A_365 = arith.constant 15 : i32
          %shift_left3A_366 = vector.broadcast %shift_left3A_365 : i32 to vector<16xi32>
          %shift_left3A_367 = arith.shli %xor3A_364, %shift_left3A_366 : vector<16xi32>
          %and3A_368 = arith.constant -272236544 : i32
          %and3A_369 = vector.broadcast %and3A_368 : i32 to vector<16xi32>
          %and3A_370 = arith.andi %shift_left3A_367, %and3A_369 : vector<16xi32>
          %xor3A_371 = arith.xori %xor3A_364, %and3A_370 : vector<16xi32>
          %shift_right_logical3A_372 = arith.constant 18 : i32
          %shift_right_logical3A_373 = vector.broadcast %shift_right_logical3A_372 : i32 to vector<16xi32>
          %shift_right_logical3A_374 = arith.shrui %xor3A_371, %shift_right_logical3A_373 : vector<16xi32>
          %xor3A_375 = arith.xori %xor3A_371, %shift_right_logical3A_374 : vector<16xi32>
          %swap3A_376 = arith.index_cast %mul3A_313 : i32 to index
          %swap3A_377 = tpu.vector_load %arg14[%swap3A_376] {strides = array<i32>} : memref<632xi32, #tpu.memory_space<vmem>>, vector<16xi32>,
          tpu.vector_store %arg14[%swap3A_376], %xor3A_375 {strides = array<i32>} : memref<632xi32, #tpu.memory_space<vmem>>, vector<16xi32>,
        }
        %scan3A_310 = arith.constant 39 : i32
      } else {
      }
      %ge3A_266 = arith.constant 624 : i32
      %ge3A_267 = arith.cmpi sge, %while3A_259, %ge3A_266 : i32
      %jit3A_268 = arith.constant 0 : i32
      %select_n3A_269 = arith.select %ge3A_267, %jit3A_268, %while3A_259 : i32
      %sub3A_270 = arith.constant 624 : i32
      %sub3A_271 = arith.subi %sub3A_270, %select_n3A_269 : i32
      %min3A_272 = arith.minsi %while3A_258, %sub3A_271 : i32
      %broadcast_in_dim3A_273 = vector.broadcast %select_n3A_269 : i32 to vector<16xi32>
      %gather3A_274 = tpu.vector_load_idx %arg14[%broadcast_in_dim3A_273] : memref<632xi32, #tpu.memory_space<vmem>>[vector<16xi32>], vector<16xi32>,
      %broadcast_in_dim3A_275 = arith.constant 0 : i32
      %broadcast_in_dim3A_276 = vector.broadcast %broadcast_in_dim3A_275 : i32 to vector<16xi32>
      %lt3A_277 = arith.constant 0 : i32
      %lt3A_278 = vector.broadcast %lt3A_277 : i32 to vector<16xi32>
      %lt3A_279 = arith.cmpi slt, %iota3A, %lt3A_278 : vector<16xi32>
      %while3A_280 = arith.constant 0 : i32
      %while3A_281 = arith.subi %min3A_272, %while3A_280 : i32
      %while3A_282 = arith.addi %while3A_280, %while3A_281 : i32
      %while3A_283 = arith.constant 1 : i32
      %while3A_284 = arith.divsi %while3A_281, %while3A_283 : i32
      %while3A_285 = arith.muli %while3A_284, %while3A_283 : i32
      %while3A_286 = arith.addi %while3A_280, %while3A_285 : i32
      %while3A_287 = arith.constant 1 : i32
      %while3A_288:6 = scf.for %while3A_305 = %while3A_280 to %while3A_286 step %while3A_287 iter_args(%while3A_306 = %while3A_260, %while3A_307 = %while3A_261, %while3A_308 = %broadcast_in_dim3A_273, %while3A_309 = %gather3A_274, %while3A_310 = %broadcast_in_dim3A_276, %while3A_311 = %lt3A_279) -> (vector<16xi32>, vector<16xi32>, vector<16xi32>, vector<16xi32>, vector<16xi32>, vector<16xi1>)  : i32 {
        %add3A_312 = arith.constant 1 : i32
        %add3A_313 = vector.broadcast %add3A_312 : i32 to vector<16xi32>
        %add3A_314 = arith.addi %while3A_308, %add3A_313 : vector<16xi32>
        %gather3A_315 = tpu.vector_load_idx %arg14[%add3A_314] : memref<632xi32, #tpu.memory_space<vmem>>[vector<16xi32>], vector<16xi32>,
        %gather3A_316 = tpu.vector_load_idx %arg12[%while3A_310] : memref<1536xi32, #tpu.memory_space<vmem>>[vector<16xi32>], vector<16xi32>,
        %eq3A_317 = arith.constant 0 : i32
        %eq3A_318 = vector.broadcast %eq3A_317 : i32 to vector<16xi32>
        %eq3A_319 = arith.cmpi eq, %iota3A, %eq3A_318 : vector<16xi32>
        %slice3A_320 = vector.extract_strided_slice %gather3A_316 {offsets = [1], sizes = [1], strides = [1]} : vector<16xi32> to vector<1xi32>
        %squeeze3A_321 = vector.extract %slice3A_320[0] : i32 from vector<1xi32>
        %slice3A_322 = vector.extract_strided_slice %gather3A_316 {offsets = [0], sizes = [1], strides = [1]} : vector<16xi32> to vector<1xi32>
        %squeeze3A_323 = vector.extract %slice3A_322[0] : i32 from vector<1xi32>
        %broadcast_in_dim3A_324 = vector.broadcast %squeeze3A_321 : i32 to vector<16xi32>
        %broadcast_in_dim3A_325 = vector.broadcast %squeeze3A_323 : i32 to vector<16xi32>
        %select_n3A_326 = arith.select %eq3A_319, %broadcast_in_dim3A_324, %broadcast_in_dim3A_325 : vector<16xi1>, vector<16xi32>
        tpu.vector_store_idx %arg12[%while3A_310], %select_n3A_326 masked %while3A_311 : memref<1536xi32, #tpu.memory_space<vmem>>[vector<16xi32>], vector<16xi32>, vector<16xi1>
        %and3A_327 = arith.andi %while3A_309, %while3A_307 : vector<16xi32>
        %le3A = arith.cmpi sle, %and3A_327, %while3A_306 : vector<16xi32>
        %min3A_328 = arith.minsi %and3A_327, %while3A_306 : vector<16xi32>
        %eq3A_329 = arith.constant 0 : i32
        %eq3A_330 = vector.broadcast %eq3A_329 : i32 to vector<16xi32>
        %eq3A_331 = arith.cmpi eq, %iota3A, %eq3A_330 : vector<16xi32>
        %select_n3A_332 = arith.select %eq3A_331, %while3A_306, %min3A_328 : vector<16xi1>, vector<16xi32>
        %add3A_333 = vector.broadcast %scan3A_40#1 : i32 to vector<16xi32>
        %add3A_334 = arith.addi %add3A_333, %select_n3A_332 : vector<16xi32>
        %and3A_335 = arith.andi %le3A, %lt3A_25 : vector<16xi1>
        %jit3A_336 = arith.constant 1 : i32
        %jit3A_337 = arith.constant 0 : i32
        %broadcast_in_dim3A_338 = vector.broadcast %jit3A_336 : i32 to vector<16xi32>
        %broadcast_in_dim3A_339 = vector.broadcast %jit3A_337 : i32 to vector<16xi32>
        %select_n3A_340 = arith.select %le3A, %broadcast_in_dim3A_338, %broadcast_in_dim3A_339 : vector<16xi1>, vector<16xi32>
        %sub3A_341 = arith.subi %while3A_306, %select_n3A_340 : vector<16xi32>
        %shift_right_arithmetic3A_342 = arith.constant 1 : i32
        %shift_right_arithmetic3A_343 = vector.broadcast %shift_right_arithmetic3A_342 : i32 to vector<16xi32>
        %shift_right_arithmetic3A_344 = arith.shrsi %while3A_307, %shift_right_arithmetic3A_343 : vector<16xi32>
        %le3A_345 = arith.cmpi sle, %sub3A_341, %shift_right_arithmetic3A_344 : vector<16xi32>
        %select_n3A_346 = arith.select %le3A_345, %shift_right_arithmetic3A_344, %while3A_307 : vector<16xi1>, vector<16xi32>
        %add3A_347 = arith.constant 1 : i32
        %add3A_348 = vector.broadcast %add3A_347 : i32 to vector<16xi32>
        %add3A_349 = arith.addi %while3A_308, %add3A_348 : vector<16xi32>
        scf.yield %sub3A_341, %select_n3A_346, %add3A_349, %gather3A_315, %add3A_334, %and3A_335 : vector<16xi32>, vector<16xi32>, vector<16xi32>, vector<16xi32>, vector<16xi32>, vector<16xi1>
      }
      %while3A_289 = arith.constant 1 : i32
      %while3A_290:6 = scf.for %while3A_305 = %while3A_286 to %while3A_282 step %while3A_289 iter_args(%while3A_306 = %while3A_288#0, %while3A_307 = %while3A_288#1, %while3A_308 = %while3A_288#2, %while3A_309 = %while3A_288#3, %while3A_310 = %while3A_288#4, %while3A_311 = %while3A_288#5) -> (vector<16xi32>, vector<16xi32>, vector<16xi32>, vector<16xi32>, vector<16xi32>, vector<16xi1>)  : i32 {
        %add3A_312 = arith.constant 1 : i32
        %add3A_313 = vector.broadcast %add3A_312 : i32 to vector<16xi32>
        %add3A_314 = arith.addi %while3A_308, %add3A_313 : vector<16xi32>
        %gather3A_315 = tpu.vector_load_idx %arg14[%add3A_314] : memref<632xi32, #tpu.memory_space<vmem>>[vector<16xi32>], vector<16xi32>,
        %gather3A_316 = tpu.vector_load_idx %arg12[%while3A_310] : memref<1536xi32, #tpu.memory_space<vmem>>[vector<16xi32>], vector<16xi32>,
        %eq3A_317 = arith.constant 0 : i32
        %eq3A_318 = vector.broadcast %eq3A_317 : i32 to vector<16xi32>
        %eq3A_319 = arith.cmpi eq, %iota3A, %eq3A_318 : vector<16xi32>
        %slice3A_320 = vector.extract_strided_slice %gather3A_316 {offsets = [1], sizes = [1], strides = [1]} : vector<16xi32> to vector<1xi32>
        %squeeze3A_321 = vector.extract %slice3A_320[0] : i32 from vector<1xi32>
        %slice3A_322 = vector.extract_strided_slice %gather3A_316 {offsets = [0], sizes = [1], strides = [1]} : vector<16xi32> to vector<1xi32>
        %squeeze3A_323 = vector.extract %slice3A_322[0] : i32 from vector<1xi32>
        %broadcast_in_dim3A_324 = vector.broadcast %squeeze3A_321 : i32 to vector<16xi32>
        %broadcast_in_dim3A_325 = vector.broadcast %squeeze3A_323 : i32 to vector<16xi32>
        %select_n3A_326 = arith.select %eq3A_319, %broadcast_in_dim3A_324, %broadcast_in_dim3A_325 : vector<16xi1>, vector<16xi32>
        tpu.vector_store_idx %arg12[%while3A_310], %select_n3A_326 masked %while3A_311 : memref<1536xi32, #tpu.memory_space<vmem>>[vector<16xi32>], vector<16xi32>, vector<16xi1>
        %and3A_327 = arith.andi %while3A_309, %while3A_307 : vector<16xi32>
        %le3A = arith.cmpi sle, %and3A_327, %while3A_306 : vector<16xi32>
        %min3A_328 = arith.minsi %and3A_327, %while3A_306 : vector<16xi32>
        %eq3A_329 = arith.constant 0 : i32
        %eq3A_330 = vector.broadcast %eq3A_329 : i32 to vector<16xi32>
        %eq3A_331 = arith.cmpi eq, %iota3A, %eq3A_330 : vector<16xi32>
        %select_n3A_332 = arith.select %eq3A_331, %while3A_306, %min3A_328 : vector<16xi1>, vector<16xi32>
        %add3A_333 = vector.broadcast %scan3A_40#1 : i32 to vector<16xi32>
        %add3A_334 = arith.addi %add3A_333, %select_n3A_332 : vector<16xi32>
        %and3A_335 = arith.andi %le3A, %lt3A_25 : vector<16xi1>
        %jit3A_336 = arith.constant 1 : i32
        %jit3A_337 = arith.constant 0 : i32
        %broadcast_in_dim3A_338 = vector.broadcast %jit3A_336 : i32 to vector<16xi32>
        %broadcast_in_dim3A_339 = vector.broadcast %jit3A_337 : i32 to vector<16xi32>
        %select_n3A_340 = arith.select %le3A, %broadcast_in_dim3A_338, %broadcast_in_dim3A_339 : vector<16xi1>, vector<16xi32>
        %sub3A_341 = arith.subi %while3A_306, %select_n3A_340 : vector<16xi32>
        %shift_right_arithmetic3A_342 = arith.constant 1 : i32
        %shift_right_arithmetic3A_343 = vector.broadcast %shift_right_arithmetic3A_342 : i32 to vector<16xi32>
        %shift_right_arithmetic3A_344 = arith.shrsi %while3A_307, %shift_right_arithmetic3A_343 : vector<16xi32>
        %le3A_345 = arith.cmpi sle, %sub3A_341, %shift_right_arithmetic3A_344 : vector<16xi32>
        %select_n3A_346 = arith.select %le3A_345, %shift_right_arithmetic3A_344, %while3A_307 : vector<16xi1>, vector<16xi32>
        %add3A_347 = arith.constant 1 : i32
        %add3A_348 = vector.broadcast %add3A_347 : i32 to vector<16xi32>
        %add3A_349 = arith.addi %while3A_308, %add3A_348 : vector<16xi32>
        scf.yield %sub3A_341, %select_n3A_346, %add3A_349, %gather3A_315, %add3A_334, %and3A_335 : vector<16xi32>, vector<16xi32>, vector<16xi32>, vector<16xi32>, vector<16xi32>, vector<16xi1>
      }
      %gather3A_291 = tpu.vector_load_idx %arg12[%while3A_290#4] : memref<1536xi32, #tpu.memory_space<vmem>>[vector<16xi32>], vector<16xi32>,
      %eq3A_292 = arith.constant 0 : i32
      %eq3A_293 = vector.broadcast %eq3A_292 : i32 to vector<16xi32>
      %eq3A_294 = arith.cmpi eq, %iota3A, %eq3A_293 : vector<16xi32>
      %slice3A_295 = vector.extract_strided_slice %gather3A_291 {offsets = [1], sizes = [1], strides = [1]} : vector<16xi32> to vector<1xi32>
      %squeeze3A_296 = vector.extract %slice3A_295[0] : i32 from vector<1xi32>
      %slice3A_297 = vector.extract_strided_slice %gather3A_291 {offsets = [0], sizes = [1], strides = [1]} : vector<16xi32> to vector<1xi32>
      %squeeze3A_298 = vector.extract %slice3A_297[0] : i32 from vector<1xi32>
      %broadcast_in_dim3A_299 = vector.broadcast %squeeze3A_296 : i32 to vector<16xi32>
      %broadcast_in_dim3A_300 = vector.broadcast %squeeze3A_298 : i32 to vector<16xi32>
      %select_n3A_301 = arith.select %eq3A_294, %broadcast_in_dim3A_299, %broadcast_in_dim3A_300 : vector<16xi1>, vector<16xi32>
      tpu.vector_store_idx %arg12[%while3A_290#4], %select_n3A_301 masked %while3A_290#5 : memref<1536xi32, #tpu.memory_space<vmem>>[vector<16xi32>], vector<16xi32>, vector<16xi1>
      %slice3A_302 = vector.extract_strided_slice %while3A_290#0 {offsets = [0], sizes = [1], strides = [1]} : vector<16xi32> to vector<1xi32>
      %squeeze3A_303 = vector.extract %slice3A_302[0] : i32 from vector<1xi32>
      %add3A_304 = arith.addi %select_n3A_269, %min3A_272 : i32
      scf.yield %squeeze3A_303, %add3A_304, %while3A_290#0, %while3A_290#1 : i32, i32, vector<16xi32>, vector<16xi32>
    }
    %sub3A_98 = arith.constant 1 : i32
    %sub3A_99 = arith.subi %scan3A_40#1, %sub3A_98 : i32
    %broadcast_in_dim3A_100 = vector.broadcast %sub3A_99 : i32 to vector<16xi32>
    %shift_right_arithmetic3A_101 = arith.constant 1 : i32
    %shift_right_arithmetic3A_102 = vector.broadcast %shift_right_arithmetic3A_101 : i32 to vector<16xi32>
    %shift_right_arithmetic3A_103 = arith.shrsi %broadcast_in_dim3A_100, %shift_right_arithmetic3A_102 : vector<16xi32>
    %or3A_104 = arith.ori %broadcast_in_dim3A_100, %shift_right_arithmetic3A_103 : vector<16xi32>
    %shift_right_arithmetic3A_105 = arith.constant 2 : i32
    %shift_right_arithmetic3A_106 = vector.broadcast %shift_right_arithmetic3A_105 : i32 to vector<16xi32>
    %shift_right_arithmetic3A_107 = arith.shrsi %or3A_104, %shift_right_arithmetic3A_106 : vector<16xi32>
    %or3A_108 = arith.ori %or3A_104, %shift_right_arithmetic3A_107 : vector<16xi32>
    %shift_right_arithmetic3A_109 = arith.constant 4 : i32
    %shift_right_arithmetic3A_110 = vector.broadcast %shift_right_arithmetic3A_109 : i32 to vector<16xi32>
    %shift_right_arithmetic3A_111 = arith.shrsi %or3A_108, %shift_right_arithmetic3A_110 : vector<16xi32>
    %or3A_112 = arith.ori %or3A_108, %shift_right_arithmetic3A_111 : vector<16xi32>
    %shift_right_arithmetic3A_113 = arith.constant 8 : i32
    %shift_right_arithmetic3A_114 = vector.broadcast %shift_right_arithmetic3A_113 : i32 to vector<16xi32>
    %shift_right_arithmetic3A_115 = arith.shrsi %or3A_112, %shift_right_arithmetic3A_114 : vector<16xi32>
    %or3A_116 = arith.ori %or3A_112, %shift_right_arithmetic3A_115 : vector<16xi32>
    %shift_right_arithmetic3A_117 = arith.constant 16 : i32
    %shift_right_arithmetic3A_118 = vector.broadcast %shift_right_arithmetic3A_117 : i32 to vector<16xi32>
    %shift_right_arithmetic3A_119 = arith.shrsi %or3A_116, %shift_right_arithmetic3A_118 : vector<16xi32>
    %or3A_120 = arith.ori %or3A_116, %shift_right_arithmetic3A_119 : vector<16xi32>
    %sub3A_121 = arith.constant 1 : i32
    %sub3A_122 = arith.subi %scan3A_40#1, %sub3A_121 : i32
    %while3A_123 = arith.constant -2147483648 : i32
    %while3A_124 = arith.constant 2147483647 : i32
    %while3A_125 = arith.constant 1 : i32
    %while3A_126 = arith.constant 0 : i32
    %while3A_127 = arith.constant -1727483681 : i32
    %while3A_128 = arith.constant 0 : i32
    %while3A_129:4 = scf.while (%while3A_258 = %sub3A_122, %while3A_259 = %while3A_97#1, %while3A_260 = %broadcast_in_dim3A_100, %while3A_261 = %or3A_120) : (i32, i32, vector<16xi32>, vector<16xi32>) -> (i32, i32, vector<16xi32>, vector<16xi32>) {
      %gt3A_262 = arith.constant 0 : i32
      %gt3A_263 = arith.cmpi sgt, %while3A_258, %gt3A_262 : i32
      scf.condition(%gt3A_263) %while3A_258, %while3A_259, %while3A_260, %while3A_261 : i32, i32, vector<16xi32>, vector<16xi32>
    } do {
    ^bb0(%while3A_258: i32, %while3A_259: i32, %while3A_260: vector<16xi32>, %while3A_261: vector<16xi32>):
      %ge3A = arith.constant 624 : i32
      %ge3A_262 = arith.cmpi sge, %while3A_259, %ge3A : i32
      %convert_element_type3A_263 = arith.extui %ge3A_262 : i1 to i32
      %cond3A_264 = arith.constant 0 : i32
      %cond3A_265 = arith.cmpi ne, %convert_element_type3A_263, %cond3A_264 : i32
      scf.if %cond3A_265 {
        %scan3A_305 = arith.constant 0 : i32
        %scan3A_306 = arith.constant 0 : i32
        %scan3A_307 = arith.constant 39 : i32
        %scan3A_308 = arith.addi %scan3A_306, %scan3A_307 : i32
        %scan3A_309 = arith.constant 1 : i32
        scf.for %scan3A_311 = %scan3A_306 to %scan3A_308 step %scan3A_309  : i32 {
          %mul3A_312 = arith.constant 16 : i32
          %mul3A_313 = arith.muli %scan3A_311, %mul3A_312 : i32
          %add3A_314 = vector.broadcast %mul3A_313 : i32 to vector<16xi32>
          %add3A_315 = arith.addi %add3A_314, %iota3A : vector<16xi32>
          %get3A_316 = arith.index_cast %mul3A_313 : i32 to index
          %get3A_317 = tpu.vector_load %arg13[%get3A_316] {strides = array<i32>} : memref<632xi32, #tpu.memory_space<vmem>>, vector<16xi32>,
          %eq3A_318 = arith.constant 623 : i32
          %eq3A_319 = vector.broadcast %eq3A_318 : i32 to vector<16xi32>
          %eq3A_320 = arith.cmpi eq, %add3A_315, %eq3A_319 : vector<16xi32>
          %add3A_321 = arith.constant 1 : i32
          %add3A_322 = vector.broadcast %add3A_321 : i32 to vector<16xi32>
          %add3A_323 = arith.addi %add3A_315, %add3A_322 : vector<16xi32>
          %jit3A_324 = arith.constant 0 : i32
          %broadcast_in_dim3A_325 = vector.broadcast %jit3A_324 : i32 to vector<16xi32>
          %select_n3A_326 = arith.select %eq3A_320, %broadcast_in_dim3A_325, %add3A_323 : vector<16xi1>, vector<16xi32>
          %lt3A_327 = arith.constant 227 : i32
          %lt3A_328 = vector.broadcast %lt3A_327 : i32 to vector<16xi32>
          %lt3A_329 = arith.cmpi slt, %add3A_315, %lt3A_328 : vector<16xi32>
          %add3A_330 = arith.constant 397 : i32
          %add3A_331 = vector.broadcast %add3A_330 : i32 to vector<16xi32>
          %add3A_332 = arith.addi %add3A_315, %add3A_331 : vector<16xi32>
          %sub3A_333 = arith.constant 227 : i32
          %sub3A_334 = vector.broadcast %sub3A_333 : i32 to vector<16xi32>
          %sub3A_335 = arith.subi %add3A_315, %sub3A_334 : vector<16xi32>
          %select_n3A_336 = arith.select %lt3A_329, %add3A_332, %sub3A_335 : vector<16xi1>, vector<16xi32>
          %gather3A_337 = tpu.vector_load_idx %arg13[%select_n3A_326] : memref<632xi32, #tpu.memory_space<vmem>>[vector<16xi32>], vector<16xi32>,
          %gather3A_338 = tpu.vector_load_idx %arg13[%select_n3A_336] : memref<632xi32, #tpu.memory_space<vmem>>[vector<16xi32>], vector<16xi32>,
          %and3A_339 = vector.broadcast %while3A_123 : i32 to vector<16xi32>
          %and3A_340 = arith.andi %get3A_317, %and3A_339 : vector<16xi32>
          %and3A_341 = vector.broadcast %while3A_124 : i32 to vector<16xi32>
          %and3A_342 = arith.andi %gather3A_337, %and3A_341 : vector<16xi32>
          %or3A_343 = arith.ori %and3A_340, %and3A_342 : vector<16xi32>
          %shift_right_logical3A = vector.broadcast %while3A_125 : i32 to vector<16xi32>
          %shift_right_logical3A_344 = arith.shrui %or3A_343, %shift_right_logical3A : vector<16xi32>
          %xor3A = arith.xori %gather3A_338, %shift_right_logical3A_344 : vector<16xi32>
          %and3A_345 = vector.broadcast %while3A_125 : i32 to vector<16xi32>
          %and3A_346 = arith.andi %or3A_343, %and3A_345 : vector<16xi32>
          %ne3A_347 = vector.broadcast %while3A_126 : i32 to vector<16xi32>
          %ne3A_348 = arith.cmpi ne, %and3A_346, %ne3A_347 : vector<16xi32>
          %broadcast_in_dim3A_349 = vector.broadcast %while3A_127 : i32 to vector<16xi32>
          %broadcast_in_dim3A_350 = vector.broadcast %while3A_126 : i32 to vector<16xi32>
          %select_n3A_351 = arith.select %ne3A_348, %broadcast_in_dim3A_349, %broadcast_in_dim3A_350 : vector<16xi1>, vector<16xi32>
          %xor3A_352 = arith.xori %xor3A, %select_n3A_351 : vector<16xi32>
          %swap3A_353 = arith.index_cast %mul3A_313 : i32 to index
          %swap3A_354 = tpu.vector_load %arg13[%swap3A_353] {strides = array<i32>} : memref<632xi32, #tpu.memory_space<vmem>>, vector<16xi32>,
          tpu.vector_store %arg13[%swap3A_353], %xor3A_352 {strides = array<i32>} : memref<632xi32, #tpu.memory_space<vmem>>, vector<16xi32>,
          %shift_right_logical3A_355 = arith.constant 11 : i32
          %shift_right_logical3A_356 = vector.broadcast %shift_right_logical3A_355 : i32 to vector<16xi32>
          %shift_right_logical3A_357 = arith.shrui %xor3A_352, %shift_right_logical3A_356 : vector<16xi32>
          %xor3A_358 = arith.xori %xor3A_352, %shift_right_logical3A_357 : vector<16xi32>
          %shift_left3A = arith.constant 7 : i32
          %shift_left3A_359 = vector.broadcast %shift_left3A : i32 to vector<16xi32>
          %shift_left3A_360 = arith.shli %xor3A_358, %shift_left3A_359 : vector<16xi32>
          %and3A_361 = arith.constant -1658038656 : i32
          %and3A_362 = vector.broadcast %and3A_361 : i32 to vector<16xi32>
          %and3A_363 = arith.andi %shift_left3A_360, %and3A_362 : vector<16xi32>
          %xor3A_364 = arith.xori %xor3A_358, %and3A_363 : vector<16xi32>
          %shift_left3A_365 = arith.constant 15 : i32
          %shift_left3A_366 = vector.broadcast %shift_left3A_365 : i32 to vector<16xi32>
          %shift_left3A_367 = arith.shli %xor3A_364, %shift_left3A_366 : vector<16xi32>
          %and3A_368 = arith.constant -272236544 : i32
          %and3A_369 = vector.broadcast %and3A_368 : i32 to vector<16xi32>
          %and3A_370 = arith.andi %shift_left3A_367, %and3A_369 : vector<16xi32>
          %xor3A_371 = arith.xori %xor3A_364, %and3A_370 : vector<16xi32>
          %shift_right_logical3A_372 = arith.constant 18 : i32
          %shift_right_logical3A_373 = vector.broadcast %shift_right_logical3A_372 : i32 to vector<16xi32>
          %shift_right_logical3A_374 = arith.shrui %xor3A_371, %shift_right_logical3A_373 : vector<16xi32>
          %xor3A_375 = arith.xori %xor3A_371, %shift_right_logical3A_374 : vector<16xi32>
          %swap3A_376 = arith.index_cast %mul3A_313 : i32 to index
          %swap3A_377 = tpu.vector_load %arg14[%swap3A_376] {strides = array<i32>} : memref<632xi32, #tpu.memory_space<vmem>>, vector<16xi32>,
          tpu.vector_store %arg14[%swap3A_376], %xor3A_375 {strides = array<i32>} : memref<632xi32, #tpu.memory_space<vmem>>, vector<16xi32>,
        }
        %scan3A_310 = arith.constant 39 : i32
      } else {
      }
      %ge3A_266 = arith.constant 624 : i32
      %ge3A_267 = arith.cmpi sge, %while3A_259, %ge3A_266 : i32
      %jit3A_268 = arith.constant 0 : i32
      %select_n3A_269 = arith.select %ge3A_267, %jit3A_268, %while3A_259 : i32
      %sub3A_270 = arith.constant 624 : i32
      %sub3A_271 = arith.subi %sub3A_270, %select_n3A_269 : i32
      %min3A_272 = arith.minsi %while3A_258, %sub3A_271 : i32
      %broadcast_in_dim3A_273 = vector.broadcast %select_n3A_269 : i32 to vector<16xi32>
      %gather3A_274 = tpu.vector_load_idx %arg14[%broadcast_in_dim3A_273] : memref<632xi32, #tpu.memory_space<vmem>>[vector<16xi32>], vector<16xi32>,
      %broadcast_in_dim3A_275 = arith.constant 0 : i32
      %broadcast_in_dim3A_276 = vector.broadcast %broadcast_in_dim3A_275 : i32 to vector<16xi32>
      %lt3A_277 = arith.constant 0 : i32
      %lt3A_278 = vector.broadcast %lt3A_277 : i32 to vector<16xi32>
      %lt3A_279 = arith.cmpi slt, %iota3A, %lt3A_278 : vector<16xi32>
      %while3A_280 = arith.constant 0 : i32
      %while3A_281 = arith.subi %min3A_272, %while3A_280 : i32
      %while3A_282 = arith.addi %while3A_280, %while3A_281 : i32
      %while3A_283 = arith.constant 1 : i32
      %while3A_284 = arith.divsi %while3A_281, %while3A_283 : i32
      %while3A_285 = arith.muli %while3A_284, %while3A_283 : i32
      %while3A_286 = arith.addi %while3A_280, %while3A_285 : i32
      %while3A_287 = arith.constant 1 : i32
      %while3A_288:6 = scf.for %while3A_305 = %while3A_280 to %while3A_286 step %while3A_287 iter_args(%while3A_306 = %while3A_260, %while3A_307 = %while3A_261, %while3A_308 = %broadcast_in_dim3A_273, %while3A_309 = %gather3A_274, %while3A_310 = %broadcast_in_dim3A_276, %while3A_311 = %lt3A_279) -> (vector<16xi32>, vector<16xi32>, vector<16xi32>, vector<16xi32>, vector<16xi32>, vector<16xi1>)  : i32 {
        %add3A_312 = arith.constant 1 : i32
        %add3A_313 = vector.broadcast %add3A_312 : i32 to vector<16xi32>
        %add3A_314 = arith.addi %while3A_308, %add3A_313 : vector<16xi32>
        %gather3A_315 = tpu.vector_load_idx %arg14[%add3A_314] : memref<632xi32, #tpu.memory_space<vmem>>[vector<16xi32>], vector<16xi32>,
        %gather3A_316 = tpu.vector_load_idx %arg12[%while3A_310] : memref<1536xi32, #tpu.memory_space<vmem>>[vector<16xi32>], vector<16xi32>,
        %eq3A_317 = arith.constant 0 : i32
        %eq3A_318 = vector.broadcast %eq3A_317 : i32 to vector<16xi32>
        %eq3A_319 = arith.cmpi eq, %iota3A, %eq3A_318 : vector<16xi32>
        %slice3A_320 = vector.extract_strided_slice %gather3A_316 {offsets = [1], sizes = [1], strides = [1]} : vector<16xi32> to vector<1xi32>
        %squeeze3A_321 = vector.extract %slice3A_320[0] : i32 from vector<1xi32>
        %slice3A_322 = vector.extract_strided_slice %gather3A_316 {offsets = [0], sizes = [1], strides = [1]} : vector<16xi32> to vector<1xi32>
        %squeeze3A_323 = vector.extract %slice3A_322[0] : i32 from vector<1xi32>
        %broadcast_in_dim3A_324 = vector.broadcast %squeeze3A_321 : i32 to vector<16xi32>
        %broadcast_in_dim3A_325 = vector.broadcast %squeeze3A_323 : i32 to vector<16xi32>
        %select_n3A_326 = arith.select %eq3A_319, %broadcast_in_dim3A_324, %broadcast_in_dim3A_325 : vector<16xi1>, vector<16xi32>
        tpu.vector_store_idx %arg12[%while3A_310], %select_n3A_326 masked %while3A_311 : memref<1536xi32, #tpu.memory_space<vmem>>[vector<16xi32>], vector<16xi32>, vector<16xi1>
        %and3A_327 = arith.andi %while3A_309, %while3A_307 : vector<16xi32>
        %le3A = arith.cmpi sle, %and3A_327, %while3A_306 : vector<16xi32>
        %min3A_328 = arith.minsi %and3A_327, %while3A_306 : vector<16xi32>
        %eq3A_329 = arith.constant 0 : i32
        %eq3A_330 = vector.broadcast %eq3A_329 : i32 to vector<16xi32>
        %eq3A_331 = arith.cmpi eq, %iota3A, %eq3A_330 : vector<16xi32>
        %select_n3A_332 = arith.select %eq3A_331, %while3A_306, %min3A_328 : vector<16xi1>, vector<16xi32>
        %add3A_333 = vector.broadcast %while3A_128 : i32 to vector<16xi32>
        %add3A_334 = arith.addi %add3A_333, %select_n3A_332 : vector<16xi32>
        %and3A_335 = arith.andi %le3A, %lt3A_25 : vector<16xi1>
        %jit3A_336 = arith.constant 1 : i32
        %jit3A_337 = arith.constant 0 : i32
        %broadcast_in_dim3A_338 = vector.broadcast %jit3A_336 : i32 to vector<16xi32>
        %broadcast_in_dim3A_339 = vector.broadcast %jit3A_337 : i32 to vector<16xi32>
        %select_n3A_340 = arith.select %le3A, %broadcast_in_dim3A_338, %broadcast_in_dim3A_339 : vector<16xi1>, vector<16xi32>
        %sub3A_341 = arith.subi %while3A_306, %select_n3A_340 : vector<16xi32>
        %shift_right_arithmetic3A_342 = arith.constant 1 : i32
        %shift_right_arithmetic3A_343 = vector.broadcast %shift_right_arithmetic3A_342 : i32 to vector<16xi32>
        %shift_right_arithmetic3A_344 = arith.shrsi %while3A_307, %shift_right_arithmetic3A_343 : vector<16xi32>
        %le3A_345 = arith.cmpi sle, %sub3A_341, %shift_right_arithmetic3A_344 : vector<16xi32>
        %select_n3A_346 = arith.select %le3A_345, %shift_right_arithmetic3A_344, %while3A_307 : vector<16xi1>, vector<16xi32>
        %add3A_347 = arith.constant 1 : i32
        %add3A_348 = vector.broadcast %add3A_347 : i32 to vector<16xi32>
        %add3A_349 = arith.addi %while3A_308, %add3A_348 : vector<16xi32>
        scf.yield %sub3A_341, %select_n3A_346, %add3A_349, %gather3A_315, %add3A_334, %and3A_335 : vector<16xi32>, vector<16xi32>, vector<16xi32>, vector<16xi32>, vector<16xi32>, vector<16xi1>
      }
      %while3A_289 = arith.constant 1 : i32
      %while3A_290:6 = scf.for %while3A_305 = %while3A_286 to %while3A_282 step %while3A_289 iter_args(%while3A_306 = %while3A_288#0, %while3A_307 = %while3A_288#1, %while3A_308 = %while3A_288#2, %while3A_309 = %while3A_288#3, %while3A_310 = %while3A_288#4, %while3A_311 = %while3A_288#5) -> (vector<16xi32>, vector<16xi32>, vector<16xi32>, vector<16xi32>, vector<16xi32>, vector<16xi1>)  : i32 {
        %add3A_312 = arith.constant 1 : i32
        %add3A_313 = vector.broadcast %add3A_312 : i32 to vector<16xi32>
        %add3A_314 = arith.addi %while3A_308, %add3A_313 : vector<16xi32>
        %gather3A_315 = tpu.vector_load_idx %arg14[%add3A_314] : memref<632xi32, #tpu.memory_space<vmem>>[vector<16xi32>], vector<16xi32>,
        %gather3A_316 = tpu.vector_load_idx %arg12[%while3A_310] : memref<1536xi32, #tpu.memory_space<vmem>>[vector<16xi32>], vector<16xi32>,
        %eq3A_317 = arith.constant 0 : i32
        %eq3A_318 = vector.broadcast %eq3A_317 : i32 to vector<16xi32>
        %eq3A_319 = arith.cmpi eq, %iota3A, %eq3A_318 : vector<16xi32>
        %slice3A_320 = vector.extract_strided_slice %gather3A_316 {offsets = [1], sizes = [1], strides = [1]} : vector<16xi32> to vector<1xi32>
        %squeeze3A_321 = vector.extract %slice3A_320[0] : i32 from vector<1xi32>
        %slice3A_322 = vector.extract_strided_slice %gather3A_316 {offsets = [0], sizes = [1], strides = [1]} : vector<16xi32> to vector<1xi32>
        %squeeze3A_323 = vector.extract %slice3A_322[0] : i32 from vector<1xi32>
        %broadcast_in_dim3A_324 = vector.broadcast %squeeze3A_321 : i32 to vector<16xi32>
        %broadcast_in_dim3A_325 = vector.broadcast %squeeze3A_323 : i32 to vector<16xi32>
        %select_n3A_326 = arith.select %eq3A_319, %broadcast_in_dim3A_324, %broadcast_in_dim3A_325 : vector<16xi1>, vector<16xi32>
        tpu.vector_store_idx %arg12[%while3A_310], %select_n3A_326 masked %while3A_311 : memref<1536xi32, #tpu.memory_space<vmem>>[vector<16xi32>], vector<16xi32>, vector<16xi1>
        %and3A_327 = arith.andi %while3A_309, %while3A_307 : vector<16xi32>
        %le3A = arith.cmpi sle, %and3A_327, %while3A_306 : vector<16xi32>
        %min3A_328 = arith.minsi %and3A_327, %while3A_306 : vector<16xi32>
        %eq3A_329 = arith.constant 0 : i32
        %eq3A_330 = vector.broadcast %eq3A_329 : i32 to vector<16xi32>
        %eq3A_331 = arith.cmpi eq, %iota3A, %eq3A_330 : vector<16xi32>
        %select_n3A_332 = arith.select %eq3A_331, %while3A_306, %min3A_328 : vector<16xi1>, vector<16xi32>
        %add3A_333 = vector.broadcast %while3A_128 : i32 to vector<16xi32>
        %add3A_334 = arith.addi %add3A_333, %select_n3A_332 : vector<16xi32>
        %and3A_335 = arith.andi %le3A, %lt3A_25 : vector<16xi1>
        %jit3A_336 = arith.constant 1 : i32
        %jit3A_337 = arith.constant 0 : i32
        %broadcast_in_dim3A_338 = vector.broadcast %jit3A_336 : i32 to vector<16xi32>
        %broadcast_in_dim3A_339 = vector.broadcast %jit3A_337 : i32 to vector<16xi32>
        %select_n3A_340 = arith.select %le3A, %broadcast_in_dim3A_338, %broadcast_in_dim3A_339 : vector<16xi1>, vector<16xi32>
        %sub3A_341 = arith.subi %while3A_306, %select_n3A_340 : vector<16xi32>
        %shift_right_arithmetic3A_342 = arith.constant 1 : i32
        %shift_right_arithmetic3A_343 = vector.broadcast %shift_right_arithmetic3A_342 : i32 to vector<16xi32>
        %shift_right_arithmetic3A_344 = arith.shrsi %while3A_307, %shift_right_arithmetic3A_343 : vector<16xi32>
        %le3A_345 = arith.cmpi sle, %sub3A_341, %shift_right_arithmetic3A_344 : vector<16xi32>
        %select_n3A_346 = arith.select %le3A_345, %shift_right_arithmetic3A_344, %while3A_307 : vector<16xi1>, vector<16xi32>
        %add3A_347 = arith.constant 1 : i32
        %add3A_348 = vector.broadcast %add3A_347 : i32 to vector<16xi32>
        %add3A_349 = arith.addi %while3A_308, %add3A_348 : vector<16xi32>
        scf.yield %sub3A_341, %select_n3A_346, %add3A_349, %gather3A_315, %add3A_334, %and3A_335 : vector<16xi32>, vector<16xi32>, vector<16xi32>, vector<16xi32>, vector<16xi32>, vector<16xi1>
      }
      %gather3A_291 = tpu.vector_load_idx %arg12[%while3A_290#4] : memref<1536xi32, #tpu.memory_space<vmem>>[vector<16xi32>], vector<16xi32>,
      %eq3A_292 = arith.constant 0 : i32
      %eq3A_293 = vector.broadcast %eq3A_292 : i32 to vector<16xi32>
      %eq3A_294 = arith.cmpi eq, %iota3A, %eq3A_293 : vector<16xi32>
      %slice3A_295 = vector.extract_strided_slice %gather3A_291 {offsets = [1], sizes = [1], strides = [1]} : vector<16xi32> to vector<1xi32>
      %squeeze3A_296 = vector.extract %slice3A_295[0] : i32 from vector<1xi32>
      %slice3A_297 = vector.extract_strided_slice %gather3A_291 {offsets = [0], sizes = [1], strides = [1]} : vector<16xi32> to vector<1xi32>
      %squeeze3A_298 = vector.extract %slice3A_297[0] : i32 from vector<1xi32>
      %broadcast_in_dim3A_299 = vector.broadcast %squeeze3A_296 : i32 to vector<16xi32>
      %broadcast_in_dim3A_300 = vector.broadcast %squeeze3A_298 : i32 to vector<16xi32>
      %select_n3A_301 = arith.select %eq3A_294, %broadcast_in_dim3A_299, %broadcast_in_dim3A_300 : vector<16xi1>, vector<16xi32>
      tpu.vector_store_idx %arg12[%while3A_290#4], %select_n3A_301 masked %while3A_290#5 : memref<1536xi32, #tpu.memory_space<vmem>>[vector<16xi32>], vector<16xi32>, vector<16xi1>
      %slice3A_302 = vector.extract_strided_slice %while3A_290#0 {offsets = [0], sizes = [1], strides = [1]} : vector<16xi32> to vector<1xi32>
      %squeeze3A_303 = vector.extract %slice3A_302[0] : i32 from vector<1xi32>
      %add3A_304 = arith.addi %select_n3A_269, %min3A_272 : i32
      scf.yield %squeeze3A_303, %add3A_304, %while3A_290#0, %while3A_290#1 : i32, i32, vector<16xi32>, vector<16xi32>
    }
    %dma_wait3A_130 = arith.constant 0 : i32
    %dma_wait3A_131 = tpu.memref_slice %arg3[%add3A, %dma_wait3A_130] : memref<32x1536xf32, #tpu.memory_space<hbm>> -> memref<1x1536xf32, #tpu.memory_space<hbm>>
    %dma_wait3A_132 = tpu.memref_squeeze %dma_wait3A_131 : memref<1x1536xf32, #tpu.memory_space<hbm>> -> memref<1536xf32, #tpu.memory_space<hbm>>
    %dma_wait3A_133 = arith.constant 0 : i32
    %dma_wait3A_134 = tpu.memref_slice %arg3[%add3A, %dma_wait3A_133] : memref<32x1536xf32, #tpu.memory_space<hbm>> -> memref<1x1536xf32, #tpu.memory_space<hbm>>
    %dma_wait3A_135 = tpu.memref_squeeze %dma_wait3A_134 : memref<1x1536xf32, #tpu.memory_space<hbm>> -> memref<1536xf32, #tpu.memory_space<hbm>>
    tpu.wait_dma2 semaphore(%arg17 : memref<!tpu.dma_semaphore, #tpu.memory_space<semaphore_mem>>) src(%dma_wait3A_135 : memref<1536xf32, #tpu.memory_space<hbm>>) dst(%arg9 : memref<1536xf32, #tpu.memory_space<vmem>>)
    %dma_wait3A_136 = arith.constant 0 : i32
    %dma_wait3A_137 = tpu.memref_slice %arg4[%add3A, %dma_wait3A_136] : memref<32x1536xf32, #tpu.memory_space<hbm>> -> memref<1x1536xf32, #tpu.memory_space<hbm>>
    %dma_wait3A_138 = tpu.memref_squeeze %dma_wait3A_137 : memref<1x1536xf32, #tpu.memory_space<hbm>> -> memref<1536xf32, #tpu.memory_space<hbm>>
    %dma_wait3A_139 = arith.constant 0 : i32
    %dma_wait3A_140 = tpu.memref_slice %arg4[%add3A, %dma_wait3A_139] : memref<32x1536xf32, #tpu.memory_space<hbm>> -> memref<1x1536xf32, #tpu.memory_space<hbm>>
    %dma_wait3A_141 = tpu.memref_squeeze %dma_wait3A_140 : memref<1x1536xf32, #tpu.memory_space<hbm>> -> memref<1536xf32, #tpu.memory_space<hbm>>
    tpu.wait_dma2 semaphore(%arg17 : memref<!tpu.dma_semaphore, #tpu.memory_space<semaphore_mem>>) src(%dma_wait3A_141 : memref<1536xf32, #tpu.memory_space<hbm>>) dst(%arg10 : memref<1536xf32, #tpu.memory_space<vmem>>)
    %dma_wait3A_142 = arith.constant 0 : i32
    %dma_wait3A_143 = tpu.memref_slice %arg5[%add3A, %dma_wait3A_142] : memref<32x16xf32, #tpu.memory_space<hbm>> -> memref<1x16xf32, #tpu.memory_space<hbm>>
    %dma_wait3A_144 = tpu.memref_squeeze %dma_wait3A_143 : memref<1x16xf32, #tpu.memory_space<hbm>> -> memref<16xf32, #tpu.memory_space<hbm>>
    %dma_wait3A_145 = arith.constant 0 : i32
    %dma_wait3A_146 = tpu.memref_slice %arg5[%add3A, %dma_wait3A_145] : memref<32x16xf32, #tpu.memory_space<hbm>> -> memref<1x16xf32, #tpu.memory_space<hbm>>
    %dma_wait3A_147 = tpu.memref_squeeze %dma_wait3A_146 : memref<1x16xf32, #tpu.memory_space<hbm>> -> memref<16xf32, #tpu.memory_space<hbm>>
    tpu.wait_dma2 semaphore(%arg17 : memref<!tpu.dma_semaphore, #tpu.memory_space<semaphore_mem>>) src(%dma_wait3A_147 : memref<16xf32, #tpu.memory_space<hbm>>) dst(%arg15 : memref<16xf32, #tpu.memory_space<vmem>>)
    %get3A = arith.constant 0 : index
    %get3A_148 = tpu.vector_load %arg15[%get3A] {strides = array<i32>} : memref<16xf32, #tpu.memory_space<vmem>>, vector<16xf32>,
    %slice3A_149 = vector.extract_strided_slice %get3A_148 {offsets = [0], sizes = [1], strides = [1]} : vector<16xf32> to vector<1xf32>
    %squeeze3A_150 = vector.extract %slice3A_149[0] : f32 from vector<1xf32>
    %min3A = arith.constant 16 : i32
    %min3A_151 = arith.minsi %scan3A_40#0, %min3A : i32
    %convert_element_type3A_152 = arith.sitofp %scan3A_40#0 : i32 to f32
    %mul3A_153 = arith.constant 3.000000e+00 : f32
    %mul3A_154 = arith.mulf %convert_element_type3A_152, %mul3A_153 : f32
    %convert_element_type3A_155 = arith.fptosi %mul3A_154 : f32 to i32
    %min3A_156 = arith.minsi %convert_element_type3A_155, %scan3A_40#1 : i32
    %get3A_157 = arith.index_cast %scan3A_40#1 : i32 to index
    %get3A_158 = tpu.vector_load %arg12[%get3A_157] {strides = array<i32>} : memref<1536xi32, #tpu.memory_space<vmem>>, vector<16xi32>,
    %lt3A_159 = vector.broadcast %min3A_151 : i32 to vector<16xi32>
    %lt3A_160 = arith.cmpi slt, %iota3A, %lt3A_159 : vector<16xi32>
    %jit3A_161 = arith.constant 0 : i32
    %broadcast_in_dim3A_162 = vector.broadcast %jit3A_161 : i32 to vector<16xi32>
    %select_n3A_163 = arith.select %lt3A_160, %get3A_158, %broadcast_in_dim3A_162 : vector<16xi1>, vector<16xi32>
    %gather3A_164 = tpu.vector_load_idx %arg9[%select_n3A_163] : memref<1536xf32, #tpu.memory_space<vmem>>[vector<16xi32>], vector<16xf32>,
    %jit3A_165 = arith.constant 0.000000e+00 : f32
    %broadcast_in_dim3A_166 = vector.broadcast %jit3A_165 : f32 to vector<16xf32>
    %select_n3A_167 = arith.select %lt3A_160, %gather3A_164, %broadcast_in_dim3A_166 : vector<16xi1>, vector<16xf32>
    %reduce_sum3A = arith.constant true
    %reduce_sum3A_168 = vector.broadcast %reduce_sum3A : i1 to vector<16xi1>
    %reduce_sum3A_169 = tpu.scan <sum>, %select_n3A_167 masked %reduce_sum3A_168 : vector<16xf32>, vector<16xi1> -> vector<16xf32>
    %reduce_sum3A_170 = vector.extract %reduce_sum3A_169[15] : f32 from vector<16xf32>
    %add3A_171 = arith.constant 15 : i32
    %add3A_172 = arith.addi %min3A_156, %add3A_171 : i32
    %jit3A_173 = arith.constant 16 : i32
    %div3A_174 = arith.divsi %add3A_172, %jit3A_173 : i32
    %sign3A_175 = arith.constant 0 : i32
    %sign3A_176 = arith.cmpi sgt, %add3A_172, %sign3A_175 : i32
    %sign3A_177 = arith.extui %sign3A_176 : i1 to i32
    %sign3A_178 = arith.constant 0 : i32
    %sign3A_179 = arith.cmpi slt, %add3A_172, %sign3A_178 : i32
    %sign3A_180 = arith.extui %sign3A_179 : i1 to i32
    %sign3A_181 = arith.subi %sign3A_177, %sign3A_180 : i32
    %sign3A_182 = arith.constant 0 : i32
    %sign3A_183 = arith.cmpi sgt, %jit3A_173, %sign3A_182 : i32
    %sign3A_184 = arith.extui %sign3A_183 : i1 to i32
    %sign3A_185 = arith.constant 0 : i32
    %sign3A_186 = arith.cmpi slt, %jit3A_173, %sign3A_185 : i32
    %sign3A_187 = arith.extui %sign3A_186 : i1 to i32
    %sign3A_188 = arith.subi %sign3A_184, %sign3A_187 : i32
    %ne3A_189 = arith.cmpi ne, %sign3A_181, %sign3A_188 : i32
    %rem3A_190 = arith.remsi %add3A_172, %jit3A_173 : i32
    %ne3A_191 = arith.constant 0 : i32
    %ne3A_192 = arith.cmpi ne, %rem3A_190, %ne3A_191 : i32
    %and3A_193 = arith.andi %ne3A_189, %ne3A_192 : i1
    %sub3A_194 = arith.constant 1 : i32
    %sub3A_195 = arith.subi %div3A_174, %sub3A_194 : i32
    %select_n3A_196 = arith.select %and3A_193, %sub3A_195, %div3A_174 : i32
    %broadcast_in_dim3A_197 = arith.constant 0.000000e+00 : f32
    %broadcast_in_dim3A_198 = vector.broadcast %broadcast_in_dim3A_197 : f32 to vector<16xf32>
    %while3A_199 = arith.constant 0 : i32
    %while3A_200 = arith.subi %select_n3A_196, %while3A_199 : i32
    %while3A_201 = arith.addi %while3A_199, %while3A_200 : i32
    %while3A_202 = arith.constant 1 : i32
    %while3A_203 = arith.divsi %while3A_200, %while3A_202 : i32
    %while3A_204 = arith.muli %while3A_203, %while3A_202 : i32
    %while3A_205 = arith.addi %while3A_199, %while3A_204 : i32
    %while3A_206 = arith.constant 1 : i32
    %while3A_207 = scf.for %while3A_258 = %while3A_199 to %while3A_205 step %while3A_206 iter_args(%while3A_259 = %broadcast_in_dim3A_198) -> (vector<16xf32>)  : i32 {
      %mul3A_260 = arith.constant 16 : i32
      %mul3A_261 = arith.muli %while3A_258, %mul3A_260 : i32
      %get3A_262 = arith.index_cast %mul3A_261 : i32 to index
      %get3A_263 = tpu.vector_load %arg12[%get3A_262] {strides = array<i32>} : memref<1536xi32, #tpu.memory_space<vmem>>, vector<16xi32>,
      %mul3A_264 = arith.constant 16 : i32
      %mul3A_265 = arith.muli %while3A_258, %mul3A_264 : i32
      %add3A_266 = vector.broadcast %mul3A_265 : i32 to vector<16xi32>
      %add3A_267 = arith.addi %add3A_266, %iota3A : vector<16xi32>
      %lt3A_268 = vector.broadcast %min3A_156 : i32 to vector<16xi32>
      %lt3A_269 = arith.cmpi slt, %add3A_267, %lt3A_268 : vector<16xi32>
      %jit3A_270 = arith.constant 0 : i32
      %broadcast_in_dim3A_271 = vector.broadcast %jit3A_270 : i32 to vector<16xi32>
      %select_n3A_272 = arith.select %lt3A_269, %get3A_263, %broadcast_in_dim3A_271 : vector<16xi1>, vector<16xi32>
      %gather3A_273 = tpu.vector_load_idx %arg10[%select_n3A_272] : memref<1536xf32, #tpu.memory_space<vmem>>[vector<16xi32>], vector<16xf32>,
      %jit3A_274 = arith.constant 0.000000e+00 : f32
      %broadcast_in_dim3A_275 = vector.broadcast %jit3A_274 : f32 to vector<16xf32>
      %select_n3A_276 = arith.select %lt3A_269, %gather3A_273, %broadcast_in_dim3A_275 : vector<16xi1>, vector<16xf32>
      %add3A_277 = arith.addf %while3A_259, %select_n3A_276 : vector<16xf32>
      scf.yield %add3A_277 : vector<16xf32>
    }
    %while3A_208 = arith.constant 1 : i32
    %while3A_209 = scf.for %while3A_258 = %while3A_205 to %while3A_201 step %while3A_208 iter_args(%while3A_259 = %while3A_207) -> (vector<16xf32>)  : i32 {
      %mul3A_260 = arith.constant 16 : i32
      %mul3A_261 = arith.muli %while3A_258, %mul3A_260 : i32
      %get3A_262 = arith.index_cast %mul3A_261 : i32 to index
      %get3A_263 = tpu.vector_load %arg12[%get3A_262] {strides = array<i32>} : memref<1536xi32, #tpu.memory_space<vmem>>, vector<16xi32>,
      %mul3A_264 = arith.constant 16 : i32
      %mul3A_265 = arith.muli %while3A_258, %mul3A_264 : i32
      %add3A_266 = vector.broadcast %mul3A_265 : i32 to vector<16xi32>
      %add3A_267 = arith.addi %add3A_266, %iota3A : vector<16xi32>
      %lt3A_268 = vector.broadcast %min3A_156 : i32 to vector<16xi32>
      %lt3A_269 = arith.cmpi slt, %add3A_267, %lt3A_268 : vector<16xi32>
      %jit3A_270 = arith.constant 0 : i32
      %broadcast_in_dim3A_271 = vector.broadcast %jit3A_270 : i32 to vector<16xi32>
      %select_n3A_272 = arith.select %lt3A_269, %get3A_263, %broadcast_in_dim3A_271 : vector<16xi1>, vector<16xi32>
      %gather3A_273 = tpu.vector_load_idx %arg10[%select_n3A_272] : memref<1536xf32, #tpu.memory_space<vmem>>[vector<16xi32>], vector<16xf32>,
      %jit3A_274 = arith.constant 0.000000e+00 : f32
      %broadcast_in_dim3A_275 = vector.broadcast %jit3A_274 : f32 to vector<16xf32>
      %select_n3A_276 = arith.select %lt3A_269, %gather3A_273, %broadcast_in_dim3A_275 : vector<16xi1>, vector<16xf32>
      %add3A_277 = arith.addf %while3A_259, %select_n3A_276 : vector<16xf32>
      scf.yield %add3A_277 : vector<16xf32>
    }
    %reduce_sum3A_210 = arith.constant true
    %reduce_sum3A_211 = vector.broadcast %reduce_sum3A_210 : i1 to vector<16xi1>
    %reduce_sum3A_212 = tpu.scan <sum>, %while3A_209 masked %reduce_sum3A_211 : vector<16xf32>, vector<16xi1> -> vector<16xf32>
    %reduce_sum3A_213 = vector.extract %reduce_sum3A_212[15] : f32 from vector<16xf32>
    %add3A_214 = arith.addi %min3A_151, %min3A_156 : i32
    %max3A = arith.constant 1 : i32
    %max3A_215 = arith.maxsi %add3A_214, %max3A : i32
    %convert_element_type3A_216 = arith.sitofp %max3A_215 : i32 to f32
    %gt3A = arith.constant 0 : i32
    %gt3A_217 = arith.cmpi sgt, %scan3A_40#0, %gt3A : i32
    %iota3A_218 = tpu.iota {dimensions = array<i32: 0>} : vector<16xi32>
    %eq3A = arith.constant 0 : i32
    %eq3A_219 = vector.broadcast %eq3A : i32 to vector<16xi32>
    %eq3A_220 = arith.cmpi eq, %iota3A_218, %eq3A_219 : vector<16xi32>
    %add3A_221 = arith.addf %reduce_sum3A_170, %reduce_sum3A_213 : f32
    %eq3A_222 = arith.constant 1 : i32
    %eq3A_223 = vector.broadcast %eq3A_222 : i32 to vector<16xi32>
    %eq3A_224 = arith.cmpi eq, %iota3A_218, %eq3A_223 : vector<16xi32>
    %jit3A_225 = arith.constant 0.000000e+00 : f32
    %broadcast_in_dim3A_226 = vector.broadcast %squeeze3A_150 : f32 to vector<16xf32>
    %broadcast_in_dim3A_227 = vector.broadcast %jit3A_225 : f32 to vector<16xf32>
    %select_n3A_228 = arith.select %eq3A_224, %broadcast_in_dim3A_226, %broadcast_in_dim3A_227 : vector<16xi1>, vector<16xf32>
    %broadcast_in_dim3A_229 = vector.broadcast %add3A_221 : f32 to vector<16xf32>
    %select_n3A_230 = arith.select %eq3A_220, %broadcast_in_dim3A_229, %select_n3A_228 : vector<16xi1>, vector<16xf32>
    %eq3A_231 = arith.constant 0 : i32
    %eq3A_232 = vector.broadcast %eq3A_231 : i32 to vector<16xi32>
    %eq3A_233 = arith.cmpi eq, %iota3A_218, %eq3A_232 : vector<16xi32>
    %eq3A_234 = arith.constant 1 : i32
    %eq3A_235 = vector.broadcast %eq3A_234 : i32 to vector<16xi32>
    %eq3A_236 = arith.cmpi eq, %iota3A_218, %eq3A_235 : vector<16xi32>
    %mul3A_237 = arith.constant 4 : i32
    %mul3A_238 = arith.muli %mul3A_237, %scan3A_40#0 : i32
    %max3A_239 = arith.constant 1 : i32
    %max3A_240 = arith.maxsi %mul3A_238, %max3A_239 : i32
    %convert_element_type3A_241 = arith.sitofp %max3A_240 : i32 to f32
    %jit3A_242 = arith.constant 1.000000e+00 : f32
    %broadcast_in_dim3A_243 = vector.broadcast %convert_element_type3A_241 : f32 to vector<16xf32>
    %broadcast_in_dim3A_244 = vector.broadcast %jit3A_242 : f32 to vector<16xf32>
    %select_n3A_245 = arith.select %eq3A_236, %broadcast_in_dim3A_243, %broadcast_in_dim3A_244 : vector<16xi1>, vector<16xf32>
    %broadcast_in_dim3A_246 = vector.broadcast %convert_element_type3A_216 : f32 to vector<16xf32>
    %select_n3A_247 = arith.select %eq3A_233, %broadcast_in_dim3A_246, %select_n3A_245 : vector<16xi1>, vector<16xf32>
    %lt3A_248 = arith.constant 2 : i32
    %lt3A_249 = vector.broadcast %lt3A_248 : i32 to vector<16xi32>
    %lt3A_250 = arith.cmpi slt, %iota3A_218, %lt3A_249 : vector<16xi32>
    %and3A_251 = vector.broadcast %gt3A_217 : i1 to vector<16xi1>
    %and3A_252 = arith.andi %and3A_251, %lt3A_250 : vector<16xi1>
    %div3A_253 = arith.divf %select_n3A_230, %select_n3A_247 : vector<16xf32>
    %jit3A_254 = arith.constant 0.000000e+00 : f32
    %broadcast_in_dim3A_255 = vector.broadcast %jit3A_254 : f32 to vector<16xf32>
    %select_n3A_256 = arith.select %and3A_252, %div3A_253, %broadcast_in_dim3A_255 : vector<16xi1>, vector<16xf32>
    %swap3A = arith.constant 0 : index
    %swap3A_257 = tpu.vector_load %arg15[%swap3A] {strides = array<i32>} : memref<16xf32, #tpu.memory_space<vmem>>, vector<16xf32>,
    tpu.vector_store %arg15[%swap3A], %select_n3A_256 {strides = array<i32>} : memref<16xf32, #tpu.memory_space<vmem>>, vector<16xf32>,
    "tpu.region"() ({
      %run_scoped3A = tpu.sem_alloc : memref<!tpu.dma_semaphore, #tpu.memory_space<semaphore_mem>>
      %dma_start3A_258 = arith.constant 0 : i32
      %dma_start3A_259 = tpu.memref_slice %arg7[%add3A, %dma_start3A_258] : memref<32x16xf32, #tpu.memory_space<hbm>> -> memref<1x16xf32, #tpu.memory_space<hbm>>
      %dma_start3A_260 = tpu.memref_squeeze %dma_start3A_259 : memref<1x16xf32, #tpu.memory_space<hbm>> -> memref<16xf32, #tpu.memory_space<hbm>>
      %dma_start3A_261 = arith.constant 0 : i32
      %dma_start3A_262 = tpu.memref_slice %arg7[%add3A, %dma_start3A_261] : memref<32x16xf32, #tpu.memory_space<hbm>> -> memref<1x16xf32, #tpu.memory_space<hbm>>
      %dma_start3A_263 = tpu.memref_squeeze %dma_start3A_262 : memref<1x16xf32, #tpu.memory_space<hbm>> -> memref<16xf32, #tpu.memory_space<hbm>>
      tpu.enqueue_dma source(%arg15 : memref<16xf32, #tpu.memory_space<vmem>>) target(%dma_start3A_263 : memref<16xf32, #tpu.memory_space<hbm>>) target_semaphore(%run_scoped3A : memref<!tpu.dma_semaphore, #tpu.memory_space<semaphore_mem>>)
      %dma_wait3A_264 = arith.constant 0 : i32
      %dma_wait3A_265 = tpu.memref_slice %arg7[%add3A, %dma_wait3A_264] : memref<32x16xf32, #tpu.memory_space<hbm>> -> memref<1x16xf32, #tpu.memory_space<hbm>>
      %dma_wait3A_266 = tpu.memref_squeeze %dma_wait3A_265 : memref<1x16xf32, #tpu.memory_space<hbm>> -> memref<16xf32, #tpu.memory_space<hbm>>
      %dma_wait3A_267 = arith.constant 0 : i32
      %dma_wait3A_268 = tpu.memref_slice %arg7[%add3A, %dma_wait3A_267] : memref<32x16xf32, #tpu.memory_space<hbm>> -> memref<1x16xf32, #tpu.memory_space<hbm>>
      %dma_wait3A_269 = tpu.memref_squeeze %dma_wait3A_268 : memref<1x16xf32, #tpu.memory_space<hbm>> -> memref<16xf32, #tpu.memory_space<hbm>>
      tpu.wait_dma2 semaphore(%run_scoped3A : memref<!tpu.dma_semaphore, #tpu.memory_space<semaphore_mem>>) src(%arg15 : memref<16xf32, #tpu.memory_space<vmem>>) dst(%dma_wait3A_269 : memref<16xf32, #tpu.memory_space<hbm>>)
      tpu.yield
    }) : () -> ()
    return
  }
}

module attributes {stable_mosaic.version = 14 : i64} {
  func.func @_tc_body(%arg0: memref<32x1536xf32, #tpu.memory_space<vmem>>, %arg1: memref<32x1536xf32, #tpu.memory_space<vmem>>, %arg2: memref<32x1536xf32, #tpu.memory_space<vmem>>, %arg3: memref<32x1536xf32, #tpu.memory_space<vmem>>, %arg4: memref<32x1536xf32, #tpu.memory_space<vmem>>, %arg5: memref<32x4xf32, #tpu.memory_space<vmem>>, %arg6: memref<8x1536xf32, #tpu.memory_space<vmem>>, %arg7: memref<32x1536xi32, #tpu.memory_space<vmem>>, %arg8: memref<32x1536xf32, #tpu.memory_space<vmem>>, %arg9: memref<32x1536xf32, #tpu.memory_space<vmem>>, %arg10: memref<32x16xf32, #tpu.memory_space<vmem>>) attributes {dimension_semantics = [], scalar_prefetch = 0 : i64, scratch_operands = 0 : i64, tpu.core_type = #tpu.core_type<tc>} {
    %get3A = arith.constant 0 : index
    %get3A_0 = arith.constant 0 : index
    %get3A_1 = vector.load %arg5[%get3A, %get3A_0] : memref<32x4xf32, #tpu.memory_space<vmem>>, vector<32x1xf32>
    %get3A_2 = arith.constant 0 : index
    %get3A_3 = arith.constant 1 : index
    %get3A_4 = vector.load %arg5[%get3A_2, %get3A_3] : memref<32x4xf32, #tpu.memory_space<vmem>>, vector<32x1xf32>
    %get3A_5 = arith.constant 0 : index
    %get3A_6 = arith.constant 2 : index
    %get3A_7 = vector.load %arg5[%get3A_5, %get3A_6] : memref<32x4xf32, #tpu.memory_space<vmem>>, vector<32x1xf32>
    %get3A_8 = arith.constant 0 : index
    %get3A_9 = arith.constant 3 : index
    %get3A_10 = vector.load %arg5[%get3A_8, %get3A_9] : memref<32x4xf32, #tpu.memory_space<vmem>>, vector<32x1xf32>
    %get3A_11 = arith.constant 0 : index
    %get3A_12 = arith.constant 0 : index
    %get3A_13 = vector.load %arg6[%get3A_11, %get3A_12] : memref<8x1536xf32, #tpu.memory_space<vmem>>, vector<1x1536xf32>
    %get3A_14 = arith.constant 1 : index
    %get3A_15 = arith.constant 0 : index
    %get3A_16 = vector.load %arg6[%get3A_14, %get3A_15] : memref<8x1536xf32, #tpu.memory_space<vmem>>, vector<1x1536xf32>
    %get3A_17 = arith.constant 2 : index
    %get3A_18 = arith.constant 0 : index
    %get3A_19 = vector.load %arg6[%get3A_17, %get3A_18] : memref<8x1536xf32, #tpu.memory_space<vmem>>, vector<1x1536xf32>
    %get3A_20 = arith.constant 3 : index
    %get3A_21 = arith.constant 0 : index
    %get3A_22 = vector.load %arg6[%get3A_20, %get3A_21] : memref<8x1536xf32, #tpu.memory_space<vmem>>, vector<1x1536xf32>
    %min3A = vector.broadcast %get3A_7 : vector<32x1xf32> to vector<32x1536xf32>
    %min3A_23 = vector.broadcast %get3A_19 : vector<1x1536xf32> to vector<32x1536xf32>
    %min3A_24 = arith.minimumf %min3A, %min3A_23 : vector<32x1536xf32>
    %max3A = vector.broadcast %get3A_1 : vector<32x1xf32> to vector<32x1536xf32>
    %max3A_25 = vector.broadcast %get3A_13 : vector<1x1536xf32> to vector<32x1536xf32>
    %max3A_26 = arith.maximumf %max3A, %max3A_25 : vector<32x1536xf32>
    %sub3A = arith.subf %min3A_24, %max3A_26 : vector<32x1536xf32>
    %jit3A = arith.constant 0.000000e+00 : f32
    %max3A_27 = vector.broadcast %jit3A : f32 to vector<32x1536xf32>
    %max3A_28 = arith.maximumf %max3A_27, %sub3A : vector<32x1536xf32>
    %min3A_29 = vector.broadcast %get3A_10 : vector<32x1xf32> to vector<32x1536xf32>
    %min3A_30 = vector.broadcast %get3A_22 : vector<1x1536xf32> to vector<32x1536xf32>
    %min3A_31 = arith.minimumf %min3A_29, %min3A_30 : vector<32x1536xf32>
    %max3A_32 = vector.broadcast %get3A_4 : vector<32x1xf32> to vector<32x1536xf32>
    %max3A_33 = vector.broadcast %get3A_16 : vector<1x1536xf32> to vector<32x1536xf32>
    %max3A_34 = arith.maximumf %max3A_32, %max3A_33 : vector<32x1536xf32>
    %sub3A_35 = arith.subf %min3A_31, %max3A_34 : vector<32x1536xf32>
    %jit3A_36 = arith.constant 0.000000e+00 : f32
    %max3A_37 = vector.broadcast %jit3A_36 : f32 to vector<32x1536xf32>
    %max3A_38 = arith.maximumf %max3A_37, %sub3A_35 : vector<32x1536xf32>
    %mul3A = arith.mulf %max3A_28, %max3A_38 : vector<32x1536xf32>
    %sub3A_39 = arith.subf %get3A_7, %get3A_1 : vector<32x1xf32>
    %sub3A_40 = arith.subf %get3A_10, %get3A_4 : vector<32x1xf32>
    %mul3A_41 = arith.mulf %sub3A_39, %sub3A_40 : vector<32x1xf32>
    %sub3A_42 = arith.subf %get3A_19, %get3A_13 : vector<1x1536xf32>
    %sub3A_43 = arith.subf %get3A_22, %get3A_16 : vector<1x1536xf32>
    %mul3A_44 = arith.mulf %sub3A_42, %sub3A_43 : vector<1x1536xf32>
    %add3A = vector.broadcast %mul3A_41 : vector<32x1xf32> to vector<32x1536xf32>
    %add3A_45 = vector.broadcast %mul3A_44 : vector<1x1536xf32> to vector<32x1536xf32>
    %add3A_46 = arith.addf %add3A, %add3A_45 : vector<32x1536xf32>
    %sub3A_47 = arith.subf %add3A_46, %mul3A : vector<32x1536xf32>
    %div3A = arith.divf %mul3A, %sub3A_47 : vector<32x1536xf32>
    %gt3A = arith.constant 6.000000e-01 : f32
    %gt3A_48 = vector.broadcast %gt3A : f32 to vector<32x1536xf32>
    %gt3A_49 = arith.cmpf ogt, %div3A, %gt3A_48 : vector<32x1536xf32>
    %lt3A = arith.constant 3.000000e-01 : f32
    %lt3A_50 = vector.broadcast %lt3A : f32 to vector<32x1536xf32>
    %lt3A_51 = arith.cmpf olt, %div3A, %lt3A_50 : vector<32x1536xf32>
    %jit3A_52 = arith.constant 0 : i32
    %jit3A_53 = arith.constant -1 : i32
    %broadcast_in_dim3A = vector.broadcast %jit3A_52 : i32 to vector<32x1536xi32>
    %broadcast_in_dim3A_54 = vector.broadcast %jit3A_53 : i32 to vector<32x1536xi32>
    %select_n3A = arith.select %lt3A_51, %broadcast_in_dim3A, %broadcast_in_dim3A_54 : vector<32x1536xi1>, vector<32x1536xi32>
    %jit3A_55 = arith.constant 1 : i32
    %broadcast_in_dim3A_56 = vector.broadcast %jit3A_55 : i32 to vector<32x1536xi32>
    %select_n3A_57 = arith.select %gt3A_49, %broadcast_in_dim3A_56, %select_n3A : vector<32x1536xi1>, vector<32x1536xi32>
    %iota3A = tpu.iota {dimensions = array<i32: 1>} : vector<32x1536xi32>
    %lt3A_58 = arith.constant 1445 : i32
    %lt3A_59 = vector.broadcast %lt3A_58 : i32 to vector<32x1536xi32>
    %lt3A_60 = arith.cmpi slt, %iota3A, %lt3A_59 : vector<32x1536xi32>
    %jit3A_61 = arith.constant -1 : i32
    %broadcast_in_dim3A_62 = vector.broadcast %jit3A_61 : i32 to vector<32x1536xi32>
    %select_n3A_63 = arith.select %lt3A_60, %select_n3A_57, %broadcast_in_dim3A_62 : vector<32x1536xi1>, vector<32x1536xi32>
    %swap3A = arith.constant 0 : index
    %swap3A_64 = arith.constant 0 : index
    %swap3A_65 = vector.load %arg7[%swap3A, %swap3A_64] : memref<32x1536xi32, #tpu.memory_space<vmem>>, vector<32x1536xi32>
    tpu.vector_store %arg7[%swap3A, %swap3A_64], %select_n3A_63 {strides = array<i32>} : memref<32x1536xi32, #tpu.memory_space<vmem>>, vector<32x1536xi32>,
    %get3A_66 = arith.constant 0 : index
    %get3A_67 = arith.constant 0 : index
    %get3A_68 = vector.load %arg0[%get3A_66, %get3A_67] : memref<32x1536xf32, #tpu.memory_space<vmem>>, vector<32x1536xf32>
    %jit3A_69 = arith.constant 1.000000e-07 : f32
    %jit3A_70 = arith.constant 0.99999988 : f32
    %max3A_71 = vector.broadcast %jit3A_69 : f32 to vector<32x1536xf32>
    %max3A_72 = arith.maximumf %max3A_71, %get3A_68 : vector<32x1536xf32>
    %min3A_73 = vector.broadcast %jit3A_70 : f32 to vector<32x1536xf32>
    %min3A_74 = arith.minimumf %min3A_73, %max3A_72 : vector<32x1536xf32>
    %log3A = math.log %min3A_74 : vector<32x1536xf32>
    %neg3A = arith.constant 0.000000e+00 : f32
    %neg3A_75 = vector.broadcast %neg3A : f32 to vector<32x1536xf32>
    %neg3A_76 = arith.subf %neg3A_75, %log3A : vector<32x1536xf32>
    %swap3A_77 = arith.constant 0 : index
    %swap3A_78 = arith.constant 0 : index
    %swap3A_79 = vector.load %arg8[%swap3A_77, %swap3A_78] : memref<32x1536xf32, #tpu.memory_space<vmem>>, vector<32x1536xf32>
    tpu.vector_store %arg8[%swap3A_77, %swap3A_78], %neg3A_76 {strides = array<i32>} : memref<32x1536xf32, #tpu.memory_space<vmem>>, vector<32x1536xf32>,
    %sub3A_80 = arith.constant 1.000000e+00 : f32
    %sub3A_81 = vector.broadcast %sub3A_80 : f32 to vector<32x1536xf32>
    %sub3A_82 = arith.subf %sub3A_81, %min3A_74 : vector<32x1536xf32>
    %log3A_83 = math.log %sub3A_82 : vector<32x1536xf32>
    %neg3A_84 = arith.constant 0.000000e+00 : f32
    %neg3A_85 = vector.broadcast %neg3A_84 : f32 to vector<32x1536xf32>
    %neg3A_86 = arith.subf %neg3A_85, %log3A_83 : vector<32x1536xf32>
    %swap3A_87 = arith.constant 0 : index
    %swap3A_88 = arith.constant 0 : index
    %swap3A_89 = vector.load %arg9[%swap3A_87, %swap3A_88] : memref<32x1536xf32, #tpu.memory_space<vmem>>, vector<32x1536xf32>
    tpu.vector_store %arg9[%swap3A_87, %swap3A_88], %neg3A_86 {strides = array<i32>} : memref<32x1536xf32, #tpu.memory_space<vmem>>, vector<32x1536xf32>,
    %get3A_90 = arith.constant 0 : index
    %get3A_91 = arith.constant 0 : index
    %get3A_92 = vector.load %arg5[%get3A_90, %get3A_91] : memref<32x4xf32, #tpu.memory_space<vmem>>, vector<32x1xf32>
    %get3A_93 = arith.constant 0 : index
    %get3A_94 = arith.constant 1 : index
    %get3A_95 = vector.load %arg5[%get3A_93, %get3A_94] : memref<32x4xf32, #tpu.memory_space<vmem>>, vector<32x1xf32>
    %get3A_96 = arith.constant 0 : index
    %get3A_97 = arith.constant 2 : index
    %get3A_98 = vector.load %arg5[%get3A_96, %get3A_97] : memref<32x4xf32, #tpu.memory_space<vmem>>, vector<32x1xf32>
    %get3A_99 = arith.constant 0 : index
    %get3A_100 = arith.constant 3 : index
    %get3A_101 = vector.load %arg5[%get3A_99, %get3A_100] : memref<32x4xf32, #tpu.memory_space<vmem>>, vector<32x1xf32>
    %get3A_102 = arith.constant 4 : index
    %get3A_103 = arith.constant 0 : index
    %get3A_104 = vector.load %arg6[%get3A_102, %get3A_103] : memref<8x1536xf32, #tpu.memory_space<vmem>>, vector<1x1536xf32>
    %get3A_105 = arith.constant 5 : index
    %get3A_106 = arith.constant 0 : index
    %get3A_107 = vector.load %arg6[%get3A_105, %get3A_106] : memref<8x1536xf32, #tpu.memory_space<vmem>>, vector<1x1536xf32>
    %get3A_108 = arith.constant 6 : index
    %get3A_109 = arith.constant 0 : index
    %get3A_110 = vector.load %arg6[%get3A_108, %get3A_109] : memref<8x1536xf32, #tpu.memory_space<vmem>>, vector<1x1536xf32>
    %get3A_111 = arith.constant 7 : index
    %get3A_112 = arith.constant 0 : index
    %get3A_113 = vector.load %arg6[%get3A_111, %get3A_112] : memref<8x1536xf32, #tpu.memory_space<vmem>>, vector<1x1536xf32>
    %sub3A_114 = vector.broadcast %get3A_92 : vector<32x1xf32> to vector<32x1536xf32>
    %sub3A_115 = vector.broadcast %get3A_104 : vector<1x1536xf32> to vector<32x1536xf32>
    %sub3A_116 = arith.subf %sub3A_114, %sub3A_115 : vector<32x1536xf32>
    %div3A_117 = vector.broadcast %get3A_110 : vector<1x1536xf32> to vector<32x1536xf32>
    %div3A_118 = arith.divf %sub3A_116, %div3A_117 : vector<32x1536xf32>
    %sub3A_119 = vector.broadcast %get3A_95 : vector<32x1xf32> to vector<32x1536xf32>
    %sub3A_120 = vector.broadcast %get3A_107 : vector<1x1536xf32> to vector<32x1536xf32>
    %sub3A_121 = arith.subf %sub3A_119, %sub3A_120 : vector<32x1536xf32>
    %div3A_122 = vector.broadcast %get3A_113 : vector<1x1536xf32> to vector<32x1536xf32>
    %div3A_123 = arith.divf %sub3A_121, %div3A_122 : vector<32x1536xf32>
    %sub3A_124 = vector.broadcast %get3A_98 : vector<32x1xf32> to vector<32x1536xf32>
    %sub3A_125 = vector.broadcast %get3A_104 : vector<1x1536xf32> to vector<32x1536xf32>
    %sub3A_126 = arith.subf %sub3A_124, %sub3A_125 : vector<32x1536xf32>
    %div3A_127 = vector.broadcast %get3A_110 : vector<1x1536xf32> to vector<32x1536xf32>
    %div3A_128 = arith.divf %sub3A_126, %div3A_127 : vector<32x1536xf32>
    %sub3A_129 = vector.broadcast %get3A_101 : vector<32x1xf32> to vector<32x1536xf32>
    %sub3A_130 = vector.broadcast %get3A_107 : vector<1x1536xf32> to vector<32x1536xf32>
    %sub3A_131 = arith.subf %sub3A_129, %sub3A_130 : vector<32x1536xf32>
    %div3A_132 = vector.broadcast %get3A_113 : vector<1x1536xf32> to vector<32x1536xf32>
    %div3A_133 = arith.divf %sub3A_131, %div3A_132 : vector<32x1536xf32>
    %get3A_134 = arith.constant 0 : index
    %get3A_135 = arith.constant 0 : index
    %get3A_136 = vector.load %arg1[%get3A_134, %get3A_135] : memref<32x1536xf32, #tpu.memory_space<vmem>>, vector<32x1536xf32>
    %sub3A_137 = arith.subf %get3A_136, %div3A_118 : vector<32x1536xf32>
    %abs3A = math.absf %sub3A_137 : vector<32x1536xf32>
    %lt3A_138 = arith.constant 1.000000e+00 : f32
    %lt3A_139 = vector.broadcast %lt3A_138 : f32 to vector<32x1536xf32>
    %lt3A_140 = arith.cmpf olt, %abs3A, %lt3A_139 : vector<32x1536xf32>
    %mul3A_141 = arith.constant 5.000000e-01 : f32
    %mul3A_142 = vector.broadcast %mul3A_141 : f32 to vector<32x1536xf32>
    %mul3A_143 = arith.mulf %mul3A_142, %abs3A : vector<32x1536xf32>
    %mul3A_144 = arith.mulf %mul3A_143, %abs3A : vector<32x1536xf32>
    %sub3A_145 = arith.constant 5.000000e-01 : f32
    %sub3A_146 = vector.broadcast %sub3A_145 : f32 to vector<32x1536xf32>
    %sub3A_147 = arith.subf %abs3A, %sub3A_146 : vector<32x1536xf32>
    %select_n3A_148 = arith.select %lt3A_140, %mul3A_144, %sub3A_147 : vector<32x1536xi1>, vector<32x1536xf32>
    %get3A_149 = arith.constant 0 : index
    %get3A_150 = arith.constant 0 : index
    %get3A_151 = vector.load %arg2[%get3A_149, %get3A_150] : memref<32x1536xf32, #tpu.memory_space<vmem>>, vector<32x1536xf32>
    %sub3A_152 = arith.subf %get3A_151, %div3A_123 : vector<32x1536xf32>
    %abs3A_153 = math.absf %sub3A_152 : vector<32x1536xf32>
    %lt3A_154 = arith.constant 1.000000e+00 : f32
    %lt3A_155 = vector.broadcast %lt3A_154 : f32 to vector<32x1536xf32>
    %lt3A_156 = arith.cmpf olt, %abs3A_153, %lt3A_155 : vector<32x1536xf32>
    %mul3A_157 = arith.constant 5.000000e-01 : f32
    %mul3A_158 = vector.broadcast %mul3A_157 : f32 to vector<32x1536xf32>
    %mul3A_159 = arith.mulf %mul3A_158, %abs3A_153 : vector<32x1536xf32>
    %mul3A_160 = arith.mulf %mul3A_159, %abs3A_153 : vector<32x1536xf32>
    %sub3A_161 = arith.constant 5.000000e-01 : f32
    %sub3A_162 = vector.broadcast %sub3A_161 : f32 to vector<32x1536xf32>
    %sub3A_163 = arith.subf %abs3A_153, %sub3A_162 : vector<32x1536xf32>
    %select_n3A_164 = arith.select %lt3A_156, %mul3A_160, %sub3A_163 : vector<32x1536xi1>, vector<32x1536xf32>
    %add3A_165 = arith.addf %select_n3A_148, %select_n3A_164 : vector<32x1536xf32>
    %get3A_166 = arith.constant 0 : index
    %get3A_167 = arith.constant 0 : index
    %get3A_168 = vector.load %arg3[%get3A_166, %get3A_167] : memref<32x1536xf32, #tpu.memory_space<vmem>>, vector<32x1536xf32>
    %sub3A_169 = arith.subf %get3A_168, %div3A_128 : vector<32x1536xf32>
    %abs3A_170 = math.absf %sub3A_169 : vector<32x1536xf32>
    %lt3A_171 = arith.constant 1.000000e+00 : f32
    %lt3A_172 = vector.broadcast %lt3A_171 : f32 to vector<32x1536xf32>
    %lt3A_173 = arith.cmpf olt, %abs3A_170, %lt3A_172 : vector<32x1536xf32>
    %mul3A_174 = arith.constant 5.000000e-01 : f32
    %mul3A_175 = vector.broadcast %mul3A_174 : f32 to vector<32x1536xf32>
    %mul3A_176 = arith.mulf %mul3A_175, %abs3A_170 : vector<32x1536xf32>
    %mul3A_177 = arith.mulf %mul3A_176, %abs3A_170 : vector<32x1536xf32>
    %sub3A_178 = arith.constant 5.000000e-01 : f32
    %sub3A_179 = vector.broadcast %sub3A_178 : f32 to vector<32x1536xf32>
    %sub3A_180 = arith.subf %abs3A_170, %sub3A_179 : vector<32x1536xf32>
    %select_n3A_181 = arith.select %lt3A_173, %mul3A_177, %sub3A_180 : vector<32x1536xi1>, vector<32x1536xf32>
    %add3A_182 = arith.addf %add3A_165, %select_n3A_181 : vector<32x1536xf32>
    %get3A_183 = arith.constant 0 : index
    %get3A_184 = arith.constant 0 : index
    %get3A_185 = vector.load %arg4[%get3A_183, %get3A_184] : memref<32x1536xf32, #tpu.memory_space<vmem>>, vector<32x1536xf32>
    %sub3A_186 = arith.subf %get3A_185, %div3A_133 : vector<32x1536xf32>
    %abs3A_187 = math.absf %sub3A_186 : vector<32x1536xf32>
    %lt3A_188 = arith.constant 1.000000e+00 : f32
    %lt3A_189 = vector.broadcast %lt3A_188 : f32 to vector<32x1536xf32>
    %lt3A_190 = arith.cmpf olt, %abs3A_187, %lt3A_189 : vector<32x1536xf32>
    %mul3A_191 = arith.constant 5.000000e-01 : f32
    %mul3A_192 = vector.broadcast %mul3A_191 : f32 to vector<32x1536xf32>
    %mul3A_193 = arith.mulf %mul3A_192, %abs3A_187 : vector<32x1536xf32>
    %mul3A_194 = arith.mulf %mul3A_193, %abs3A_187 : vector<32x1536xf32>
    %sub3A_195 = arith.constant 5.000000e-01 : f32
    %sub3A_196 = vector.broadcast %sub3A_195 : f32 to vector<32x1536xf32>
    %sub3A_197 = arith.subf %abs3A_187, %sub3A_196 : vector<32x1536xf32>
    %select_n3A_198 = arith.select %lt3A_190, %mul3A_194, %sub3A_197 : vector<32x1536xi1>, vector<32x1536xf32>
    %add3A_199 = arith.addf %add3A_182, %select_n3A_198 : vector<32x1536xf32>
    %eq3A = arith.constant 1 : i32
    %eq3A_200 = vector.broadcast %eq3A : i32 to vector<32x1536xi32>
    %eq3A_201 = arith.cmpi eq, %select_n3A_57, %eq3A_200 : vector<32x1536xi32>
    %jit3A_202 = arith.constant 0.000000e+00 : f32
    %broadcast_in_dim3A_203 = vector.broadcast %jit3A_202 : f32 to vector<32x1536xf32>
    %select_n3A_204 = arith.select %eq3A_201, %add3A_199, %broadcast_in_dim3A_203 : vector<32x1536xi1>, vector<32x1536xf32>
    %reduce_sum3A = arith.constant dense<0.000000e+00> : vector<32xf32>
    %reduce_sum3A_205 = vector.multi_reduction <add>, %select_n3A_204, %reduce_sum3A [1] : vector<32x1536xf32> to vector<32xf32>
    %broadcast_in_dim3A_206 = vector.shape_cast %reduce_sum3A_205 : vector<32xf32> to vector<32x1xf32>
    %broadcast_in_dim3A_207 = vector.shape_cast %broadcast_in_dim3A_206 : vector<32x1xf32> to vector<32x1xf32>
    %broadcast_in_dim3A_208 = vector.broadcast %broadcast_in_dim3A_207 : vector<32x1xf32> to vector<32x16xf32>
    %swap3A_209 = arith.constant 0 : index
    %swap3A_210 = arith.constant 0 : index
    %swap3A_211 = vector.load %arg10[%swap3A_209, %swap3A_210] : memref<32x16xf32, #tpu.memory_space<vmem>>, vector<32x16xf32>
    tpu.vector_store %arg10[%swap3A_209, %swap3A_210], %broadcast_in_dim3A_208 {strides = array<i32>} : memref<32x16xf32, #tpu.memory_space<vmem>>, vector<32x16xf32>,
    return
  }
}

</mosaic_0001>

<sc_bundles>
// kernel: kernel.4.cloned.1.call-start
scs
__scs_entry_jumppad:
0x0: {  	(pc) =	sbr.rel $0x88, $3  }
0x1: {  	(tag) =	ssettag $0x0;
	lr =	simm.s32 $0x1  }
0x2: {  	[smem:$0x3F9E] =	sst lr;
	_ =	strace $0xD0000000  }
0x3: {  	_ = 	snop  }
0x4: {  	_ = 	snop  }
0x5: {  	_ = 	snop  }
0x6: {  	_ = 	snop  }
0x7: {  	_ = 	snop  }
__scs_overlays_trampoline_lowered:
0x8: {  	[smem:$0x3FAD] =	sst s0  }
0x9: {  	[smem:$0x3FAE] =	sst s1  }
0xa: {  	[smem:$0x3FAF] =	sst s2  }
0xb: {  	[smem:$0x3FB0] =	sst s3  }
0xc: {  	[smem:$0x3FB1] =	sst s4  }
0xd: {  	[smem:$0x3FB2] =	sst s5  }
0xe: {  	[smem:$0x3FB3] =	sst s6  }
0xf: {  	[smem:$0x3FB4] =	sst s7  }
0x10: {  	[smem:$0x3FB5] =	sst s8  }
0x11: {  	[smem:$0x3FB6] =	sst s9;
	s0 =	simm.s32 @!p0 $0x0  }
0x12: {  	s1 =	sld [smem:$0x3F9C];
	s0 =	simm.s32 @p0 $0x1  }
0x13: {  	[smem:$0x3FB7] =	sst s0;
	s0 =	simm.s32 @!p1 $0x0  }
0x14: {  	s2 =	sld [smem:$0x3F9B];
	s0 =	simm.s32 @p1 $0x1  }
0x15: {  	[smem:$0x3FB8] =	sst s0;
	s0 =	simm.s32 @!p2 $0x0  }
0x16: {  	s3 =	sld [smem:$0x3FDB];
	s0 =	simm.s32 @p2 $0x1  }
0x17: {  	s4 =	simm.s32 $0x1BF5;
	[smem:$0x3FBA] =	sst s0  }
0x18: {  	s0 =	sld [smem:$0x3F9D];
	_ =	swait.ge [sflag:s4], $0x0  }
0x19: {  	s7 =	sld [smem:$0x3F9E]  }
0x1a: {  	s8 =	sadd.s32 $0xFFFFE003, lr  }
0x1b: {  	s9 =	sadd.s32 $0xFFFFFEF7, lr;
	s5 =	simm.s32 $0xFFFFFFFF;
	p2 =	slt.u32 s8, $0xFFFFF086  }
0x1c: {  	p1 =	slt.u32 s9, $0xF7A;
	s5 =	simm.s32 @!p2 $0x0  }
0x1d: {  	s5 =	simm.s32 @p1 $0x1;
	p0 =	seq.s32 s7, s2  }
0x1e: {  	s7 =	smul.u32 @!p0 $0xF7A, s2;
	p2 =	seq.s32 @!p0 s5, $0x0  }
0x1f: {  	s9 =	smul.u32 $0xF7A, s1;
	s8 =	simm.s32 @!p0 $0x1BF5;
	p2 =	por !p2, p0  }
0x20: {  	[sflag:s8] =	ssyncset.s32 @!p0 $0xFFFFF086;
	s6 =	sadd.s32 @!p0 s3, s7;
	s7 =	simm.s32 @!p0 $0x108  }
0x21: {  	s3 =	sadd.s32 s3, s9;
	s6 =	sadd.s32 @!p0 $0x88, s6;
	s7 =	simm.s32 @p2 $0x1082  }
0x22: {  	[simem:s7], [sflag:s8] =	dma.local @!p0 [hbm:s6], $0xF7A  }
0x23: {  	s9 =	sor.u32 $0xD0000000, s2;
	s6 =	simm.s32 $0x108;
	_ =	swait.ge @!p0 [sflag:s8], $0x0  }
0x24: {  	s3 =	sadd.s32 $0x88, s3;
	s6 =	simm.s32 @!p1 $0x1082;
	[sflag:s4] =	ssyncset.s32 $0xFFFFF086  }
0x25: {  	[simem:s6], [sflag:s4] =	dma.local [hbm:s3], $0xF7A  }
0x26: {  	[smem:$0x3F9E] =	sst s1;
	(tag) =	ssettag s2;
	_ =	strace s9  }
0x27: {  	s1 =	sld [smem:$0x3FAE]  }
0x28: {  	s2 =	sld [smem:$0x3FAF]  }
0x29: {  	s4 =	sld [smem:$0x3FB1]  }
0x2a: {  	p0 =	seq.s32 s5, $0x0;
	s5 =	sld [smem:$0x3FB2]  }
0x2b: {  	s6 =	sld [smem:$0x3FB3]  }
0x2c: {  	s7 =	sld [smem:$0x3FB4]  }
0x2d: {  	s3 =	simm.s32 $0x108;
	s8 =	sld [smem:$0x3FB5]  }
0x2e: {  	s3 =	simm.s32 @!p0 $0x1082;
	s9 =	sld [smem:$0x3FB6]  }
0x2f: {  	lr =	sadd.s32 s0, s3;
	s0 =	sld [smem:$0x3FAD]  }
0x30: {  	s3 =	sld [smem:$0x3FB0]  }
0x31: {  	[smem:$0x3FB9] =	sst s10  }
0x32: {  	s10 =	sld [smem:$0x3FB7];
	_ =	sdelay $0x3  }
0x33: {  	p0 =	seq.s32 s10, $0x1;
	s10 =	sld [smem:$0x3FB9];
	_ =	sdelay $0x3  }
0x34: {  	[smem:$0x3FB9] =	sst s10  }
0x35: {  	s10 =	sld [smem:$0x3FB8];
	_ =	sdelay $0x3  }
0x36: {  	p1 =	seq.s32 s10, $0x1;
	s10 =	sld [smem:$0x3FB9];
	_ =	sdelay $0x3  }
0x37: {  	[smem:$0x3FB9] =	sst s10  }
0x38: {  	s10 =	sld [smem:$0x3FBA]  }
0x39: {  	_ = 	snop;
	(pc) =	sbr.ind lr, $3  }
0x3a: {  	_ = 	snop  }
0x3b: {  	_ = 	snop  }
0x3c: {  	p2 =	seq.s32 s10, $0x1;
	s10 =	sld [smem:$0x3FB9]  }
0x3d: {  	_ =	shalt  }
0x3e: {  	_ =	shalt  }
0x3f: {  	_ =	shalt  }
0x40: {  	_ =	shalt  }
0x41: {  	_ =	shalt  }
0x42: {  	_ =	shalt  }
0x43: {  	_ =	shalt  }
0x44: {  	_ =	shalt  }
0x45: {  	_ =	shalt  }
0x46: {  	_ =	shalt  }
0x47: {  	_ =	shalt  }
0x48: {  	_ =	shalt  }
0x49: {  	_ =	shalt  }
0x4a: {  	_ =	shalt  }
0x4b: {  	_ =	shalt  }
0x4c: {  	_ =	shalt  }
0x4d: {  	_ =	shalt  }
0x4e: {  	_ =	shalt  }
0x4f: {  	_ =	shalt  }
0x50: {  	_ =	shalt  }
0x51: {  	_ =	shalt  }
0x52: {  	_ =	shalt  }
0x53: {  	_ =	shalt  }
0x54: {  	_ =	shalt  }
0x55: {  	_ =	shalt  }
0x56: {  	_ =	shalt  }
0x57: {  	_ =	shalt  }
0x58: {  	_ =	shalt  }
0x59: {  	_ =	shalt  }
0x5a: {  	_ =	shalt  }
0x5b: {  	_ =	shalt  }
0x5c: {  	_ =	shalt  }
0x5d: {  	_ =	shalt  }
0x5e: {  	_ =	shalt  }
0x5f: {  	_ =	shalt  }
0x60: {  	_ =	shalt  }
0x61: {  	_ =	shalt  }
0x62: {  	_ =	shalt  }
0x63: {  	_ =	shalt  }
0x64: {  	_ =	shalt  }
0x65: {  	_ =	shalt  }
0x66: {  	_ =	shalt  }
0x67: {  	_ =	shalt  }
0x68: {  	_ =	shalt  }
0x69: {  	_ =	shalt  }
0x6a: {  	_ =	shalt  }
0x6b: {  	_ =	shalt  }
0x6c: {  	_ =	shalt  }
0x6d: {  	_ =	shalt  }
0x6e: {  	_ =	shalt  }
0x6f: {  	_ =	shalt  }
0x70: {  	_ =	shalt  }
0x71: {  	_ =	shalt  }
0x72: {  	_ =	shalt  }
0x73: {  	_ =	shalt  }
0x74: {  	_ =	shalt  }
0x75: {  	_ =	shalt  }
0x76: {  	_ =	shalt  }
0x77: {  	_ =	shalt  }
0x78: {  	_ =	shalt  }
0x79: {  	_ =	shalt  }
0x7a: {  	_ =	shalt  }
0x7b: {  	_ =	shalt  }
0x7c: {  	_ =	shalt  }
0x7d: {  	_ =	shalt  }
0x7e: {  	_ =	shalt  }
0x7f: {  	_ =	shalt  }
0x80: {  	_ =	shalt  }
0x81: {  	_ =	shalt  }
0x82: {  	_ =	shalt  }
0x83: {  	_ =	shalt  }
0x84: {  	_ =	shalt  }
0x85: {  	_ =	shalt  }
0x86: {  	_ =	shalt  }
0x87: {  	_ =	shalt  }
.Lfunc_end0:
.L_simem_size_0:
called_computation_lowered:
.L_overlay_start_0:
0x88: {  	s2 =	sld [smem:$0x3FD9]  }
0x89: {  	s3 =	sld [smem:$0x3FFE];
	_ =	sdelay $0x1  }
0x8a: {  	s1 =	srdreg.scid  }
0x8b: {  	s0 =	sand.u32 $0x1, s1  }
0x8c: {  	s16 =	sshll.u32 s0, $0xA;
	s2 =	sadd.s32 s3, s2  }
0x8d: {  	s2 =	sadd.s32 s2, s16  }
0x8e: {  	[smem:$0x3FC5] =	sst s2  }
0x8f: {  	_ = 	snop  }
0x90: {  	(tm) =	ssettm $0x1  }
0x91: {  	s17 =	sld [smem:$0x3FFB];
	_ =	sdelay $0x3  }
0x92: {  	_ =	strace s17  }
0x93: {  	s2 =	sld [smem:$0x3FFC];
	_ =	sdelay $0x3  }
0x94: {  	_ =	strace s2  }
0x95: {  	s2 =	sld [smem:$0x3FFD];
	_ =	sdelay $0x3  }
0x96: {  	_ =	strace s2  }
0x97: {  	_ =	strace $0x8FFFFFFF  }
0x98: {  	s18 =	sld [smem:$0x3FDB];
	_ =	sdelay $0x1  }
0x99: {  	s19 =	simm.s32 $_scs_section_size  }
0x9a: {  	s4 =	simm.s32 $_size__tile_overlayer_lowered;
	s5 =	simm.s32 $_tile_overlayer_lowered  }
0x9b: {  	s22 =	simm.s32 $0x1BFF;
	s21 =	sshll.u32 s5, $0x1;
	s2 =	sadd.s32 s19, s18  }
0x9c: {  	s6 =	simm.s32 $0x0;
	s20 =	sshll.u32 s4, $0x1;
	s4 =	sadd.s32 s21, s2  }
0x9d: {  	[timem:s6], [sflag:s22] =	dma.local [hbm:s4], s20  }
0x9e: {  	_ =	swait.ge [sflag:s22], s20  }
0x9f: {  	s3 =	ssub.s32 $0x0, s20;
	[sflag:s22] =	ssyncset.done $0x0  }
0xa0: {  	[sflag:s22] =	ssyncadd.s32 s3;
	_ =	sdelay $0x1  }
0xa1: {  	s23 =	simm.s32 $0x1B8B  }
0xa2: {  	_ =	swait.ge [sflag:s23], $0x1  }
0xa3: {  	[sflag:s23] =	ssyncset.done $0x0  }
0xa4: {  	s25 =	simm.s32 $0x1B8E;
	s24 =	sld [smem:$0x3FFE];
	[sflag:s23] =	ssyncadd.s32 $0xFFFFFFFF  }
0xa5: {  	s26 =	simm.s32 $execute0_lowered;
	[smem:$0x3FD2] =	sst s25  }
0xa6: {  	s4 =	sshll.u32 s26, $0x1;
	_ =	strace $0x80000046;
	[dreg:$0x1] =	wrdreg $0xFFFFFFFF  }
0xa7: {  	s28 =	simm.s32 $_size_execute0_lowered;
	s2 =	sadd.s32 s2, s4;
	[dreg:$0x0] =	wrdreg $0x0  }
0xa8: {  	s4 =	sshll.u32 s28, $0x1;
	[dreg:$0x2] =	wrdreg s2  }
0xa9: {  	[dreg:$0x3] =	wrdreg s4  }
0xaa: {  	[dreg:$0x4] =	wrdreg $0xC0  }
0xab: {  	_ =	task [dreg:s6], $0x5FFFF  }
0xac: {  	[dreg:$0x1] =	wrdreg $0xFFFFFFFF  }
0xad: {  	[dreg:$0x0] =	wrdreg $0x60  }
0xae: {  	[dreg:$0x2] =	wrdreg s24  }
0xaf: {  	[dreg:$0x3] =	wrdreg $0x9  }
0xb0: {  	_ =	task.clear_ibuf [dreg:s6], $0x4FFFF;
	_ =	strace $0x90000046  }
0xb1: {  	s29 =	simm.s32 $0x9;
	_ =	strace $0x80000048  }
0xb2: {  	_ =	swait.ge [sflag:s29], $0x1  }
0xb3: {  	[sflag:s29] =	ssyncadd.s32 $0xFFFFFFFF  }
0xb4: {  	_ =	strace $0x90000048  }
0xb5: {  	_ =	sfence  }
0xb6: {  	s30 =	sld [smem:$0x0];
	_ =	sdelay $0x2  }
0xb7: {  	s31 =	sshll.u32 s1, $0xD;
	s1 =	sshrl.u32 s1, $0x2  }
0xb8: {  	s3 =	sand.u32 $0x4000, s31;
	s1 =	sadd.s32 s1, s30  }
0xb9: {  	s0 =	sor.u32 s3, s0;
	s1 =	sshll.u32 s1, $0x11  }
0xba: {  	s0 =	sor.u32 s1, s0  }
0xbb: {  	s0 =	sadd.s32 $0x8F2B, s0  }
0xbc: {  	[sflag:s0] =	ssyncadd.remote.s32 $0x1  }
0xbd: {  	_ =	sfence.sel $0xFFFF  }
0xbe: {  	[dreg:$0x0] =	wrdreg $0xFFFFFFFF;
	(pc) =	sbr.abs _section_cstart, $3  }
0xbf: {  	[dreg:$0x1] =	wrdreg $0xFFFFFFFF  }
0xc0: {  	_ =	task.clear_ibuf [dreg:s6], $0x2FFFF;
	_ =	strace $0x9FFFFFFF  }
0xc1: {  	(tm) =	ssettm $0x7FFFFFFF  }
tec
execute0_lowered:
.L_overlay_start_1:
0x0: {  	(tag) =	ssettag $0x1  }
0x1: {  	s3 =	rddreg [dreg:$0x0]  }
0x2: {  	s1 =	srdreg.scid;
	s0 =	stileid.u32  }
0x3: {  	s2 =	simm.s32 $0x0;
	s11 =	simm.s32 $0x600;
	s12 =	simm.s32 $0xC00  }
0x4: {  	s13 =	simm.s32 $0x80;
	s14 =	simm.s32 $0x2300;
	s15 =	simm.s32 $0x1E00  }
0x5: {  	s16 =	simm.s32 $0x3;
	s17 =	simm.s32 $0x1;
	s18 =	simm.s32 $0x2080  }
0x6: {  	s19 =	simm.s32 $0x1800;
	s20 =	simm.s32 $0x2;
	s21 =	simm.s32 $0x0  }
0x7: {  	s4 =	sand.u32 $0x1, s1;
	s5 =	sshrl.u32 s0, $0x2;
	s1 =	rddreg [dreg:$0x1]  }
0x8: {  	s29 =	sshll.u32 s0, $0x8;
	[smem:$0x7FF] =	sst s2;
	s8 =	smul.u32 $0x3000, s5  }
0x9: {  	s6 =	sshll.u32 s4, $0x7;
	s7 =	sand.u32 $0x300, s29;
	s30 =	smul.u32 $0x1400, s5  }
0xa: {  	_ =	strace $0x80000047;
	s4 =	ssub.s32 $0x2, s4;
	s6 =	sor.u32 s6, s7  }
0xb: {  	s5 =	sshll.u32 s5, $0xA;
	s31 =	sshrl.u32 s4, $0x1;
	s7 =	sor.u32 s8, s6  }
0xc: {  	s8 =	sor.u32 s30, s6;
	s5 =	sor.u32 s5, s6;
	s10 =	ssub.s32 s4, s31  }
.Ltmp0:
0xd: {  	v0 =	vlaneseq.u32;
	v1 =	vimm.s32 $0x270;
	v7 =	vimm.s32 $0x9908B0DF;
	s7 =	sshrl.u32 s7, $0x3;
	s8 =	sshrl.u32 s8, $0x3;
	(pc) =	sbr.rel .LBB2_1-.Ltmp0, $4  }
0xe: {  	vm0 =	vmxor vm0, vm0;
	vm1 =	vmmov $0x1;
	vm2 =	vmmov $0x3;
	s5 =	sshrl.u32 s5, $0x3;
	s7 =	sadd.s32 s7, s3;
	s8 =	sadd.s32 s8, s3  }
0xf: {  	v8 =	vimm.s32 $0x0;
	vm3 =	vcmask $0x704;
	v4 =	vmul.u32 $0xFFFFFFFF, v0;
	s9 =	sadd.s32 s5, s3;
	s3 =	sadd.s32 $0x1000, s7;
	s4 =	sadd.s32 $0x2800, s7  }
0x10: {  	vm4 =	vcmask $0x300;
	v3 =	vadd.s32 $0x1, v0;
	v5 =	vadd.s32 $0xFFFFFF1D, v0;
	s5 =	sadd.s32 $0x4000, s7;
	s6 =	sadd.s32 $0x5800, s9;
	s7 =	sadd.s32 $0x5A00, s8  }
0x11: {  	v6 =	vadd.s32 $0x18D, v0;
	v2 =	vadd.s32 $0x26F, v4;
	v4 =	vadd.s32 $0xE3, v4;
	s8 =	sadd.s32 $0x6400, s9;
	s9 =	smax.u32 s10, $0x1;
	s10 =	simm.s32 $0x400  }
.LBB2_35:
0x12: {  	v10 =	vimm.f32 $0.0e+00  }
.LBB2_43:
0x13: {  	(xrf2) =	vadd.scan.msk.f32 $0xffff, v10;
	_ =	sdelay $0x9  }
0x14: {  	v10, _, _ =	vpop (xrf2)  }
0x15: {  	(v2sf) =	vpush v10, $0xF  }
0x16: {  	s23 =	sadd.s32 s23, s24  }
0x17: {  	p0 =	sgt.s32 s23, $0x1  }
0x18: {  	s24 =	sshll.u32 s22, $0x2;
	s23 =	simm.s32 @!p0 $0x1  }
0x19: {  	p0 =	sgt.s32 s24, $0x1;
	s23 =	scvt.s32.f32 s23  }
0x1a: {  	s24 =	simm.s32 @!p0 $0x1  }
0x1b: {  	s24 =	scvt.s32.f32 s24;
	v10 =	vmov s23  }
0x1c: {  	v10 =	vnsel vm4, $0x3F800000, v10  }
0x1d: {  	v10 =	vsel vm3, s24, v10  }
0x1e: {  	(erf) = vrcp.f32 v10;
	_ =	sdelay $0x5  }
0x1f: {  	v9 =	vbroadcast v9, $0x0;
	s31 =	spop (v2sf)  }
0x20: {  	s23 =	sadd.f32 s31, s25  }
0x21: {  	vm5 =	veq.s32 v0, $0x0;
	v9 =	vnsel vm3, $0x0, v9  }
0x22: {  	p0 =	sgt.s32 s22, $0x0;
	v10 =	vpop (erf);
	v9 =	vsel vm5, s23, v9;
	vm5 =	vmmov vm0  }
0x23: {  	vm5 =	vmneg @p0 vm5;
	v9 =	vmul.f32 v9, v10  }
0x24: {  	s21 =	sadd.s32 $0x1, s21;
	vm5 =	vmand vm5, vm2  }
0x25: {  	p0 =	sne.s32 s21, s9;
	v9 =	vnsel vm5, $0x0, v9  }
.Ltmp1:
0x26: {  	[tilespmem:$0x2300] =	vst v9;
	(pc) =	sbr.rel @!p0 .LBB2_44-.Ltmp1, $4  }
0x27: {  	[hbm4b:s8+s2] =	stream.linear.scatter [tilespmem:s14], [sflag:$0x3], $0x80, $0x38;
	[tilespmem:$0x2380] =	vst v63  }
0x28: {  	_ =	swait.ge [sflag:s16], $0x80  }
0x29: {  	[sflag:s16] =	ssyncset.done $0x0  }
0x2a: {  	[sflag:s16] =	ssyncadd.s32 $0xFFFFFF80  }
.LBB2_1:
0x2b: {  	[tilespmem:s2], [sflag:$0x1] =	stream.strided.gather [hbm4b:s3+s13], $0x600, s10, s13, $0x38;
	[tilespmem:$0x2380] =	vst v63  }
0x2c: {  	_ = 	snop  }
0x2d: {  	[tilespmem:s11], [sflag:$0x2] =	stream.strided.gather [hbm4b:s4+s13], $0x600, s10, s13, $0x38;
	[tilespmem:$0x2380] =	vst v63  }
0x2e: {  	_ = 	snop  }
0x2f: {  	[tilespmem:s12], [sflag:$0x2] =	stream.strided.gather [hbm4b:s5+s13], $0x600, s10, s13, $0x38;
	[tilespmem:$0x2380] =	vst v63  }
0x30: {  	_ = 	snop  }
0x31: {  	[tilespmem:s14], [sflag:$0x2] =	stream.linear.gather [hbm4b:s6+s2], $0x80, $0x38;
	[tilespmem:$0x2380] =	vst v63  }
0x32: {  	_ = 	snop  }
0x33: {  	[tilespmem:s15], [sflag:$0x3] =	stream.strided.gather [hbm4b:s7+s13], $0x280, s10, s13, $0x38;
	[tilespmem:$0x2380] =	vst v63  }
0x34: {  	_ =	swait.ge [sflag:s16], $0x280  }
0x35: {  	[sflag:s16] =	ssyncset.done $0x0  }
0x36: {  	[sflag:s16] =	ssyncadd.s32 $0xFFFFFD80  }
0x37: {  	v9 =	vld.idx.msk [tilespmem:v1+s15+$0x0], $0xffff;
	_ =	sdelay $0x4  }
0x38: {  	(v2sf) =	vpush v9, $0x0;
	_ =	sdelay $0xe  }
0x39: {  	s23 =	spop (v2sf)  }
0x3a: {  	p0 =	sgt.s32 s23, $0x26F  }
.Ltmp2:
0x3b: {  	_ = 	snop;
	(pc) =	sbr.rel @p0 .LBB2_5-.Ltmp2, $1  }
0x3c: {  	_ =	sdelay $0x3  }
0x3d: {  	s22 =	simm.s32 $0x0  }
0x3e: {  	v9 =	vld [tilespmem:s22+$0x1E00];
	_ =	sdelay $0x4  }
0x3f: {  	v10 =	vshrl.u32 v9, $0xB  }
0x40: {  	v9 =	vxor.u32 v9, v10  }
0x41: {  	v10 =	vshll.u32 v9, $0x7  }
0x42: {  	s24 =	simm.s32 $0x10;
	v10 =	vand.u32 $0x9D2C5680, v10  }
0x43: {  	v9 =	vxor.u32 v9, v10;
	v10 =	vld [tilespmem:s24+$0x1E00];
	_ =	sdelay $0x3  }
0x44: {  	s25 =	simm.s32 $0x80;
	v11 =	vshll.u32 v9, $0xF  }
.LBB2_3:
0x45: {  	s26 =	sshra.s32 s25, $0x2;
	p0 =	sne.s32 s25, $0x980;
	s25 =	sadd.s32 $0x40, s25;
	v12 =	vshrl.u32 v10, $0xB;
	v11 =	vand.u32 $0xEFC60000, v11  }
.Ltmp3:
0x46: {  	v12 =	vxor.u32 v10, v12;
	v10 =	vld [tilespmem:s26+$0x1E00];
	v9 =	vxor.u32 v9, v11;
	(pc) =	sbr.rel @p0 .LBB2_3-.Ltmp3, $4  }
0x47: {  	v11 =	vshll.u32 v12, $0x7;
	v13 =	vshrl.u32 v9, $0x12  }
0x48: {  	v11 =	vand.u32 $0x9D2C5680, v11;
	v13 =	vxor.u32 v9, v13  }
0x49: {  	v9 =	vxor.u32 v12, v11;
	[tilespmem:s22+$0x2080] =	vst v13;
	s22 =	smov.u32 s24;
	s24 =	smov.u32 s26  }
0x4a: {  	v11 =	vshll.u32 v9, $0xF  }
0x4b: {  	v12 =	vshrl.u32 v10, $0xB  }
0x4c: {  	v10 =	vxor.u32 v10, v12  }
0x4d: {  	v12 =	vshll.u32 v10, $0x7  }
0x4e: {  	v12 =	vand.u32 $0x9D2C5680, v12  }
0x4f: {  	v10 =	vxor.u32 v10, v12  }
0x50: {  	v11 =	vand.u32 $0xEFC60000, v11;
	v12 =	vshll.u32 v10, $0xF  }
0x51: {  	v9 =	vxor.u32 v9, v11;
	v11 =	vand.u32 $0xEFC60000, v12  }
0x52: {  	v63 =	vshrl.u32 v9, $0x12;
	v10 =	vxor.u32 v10, v11  }
0x53: {  	v9 =	vxor.u32 v9, v63;
	v11 =	vshrl.u32 v10, $0x12  }
0x54: {  	[tilespmem:s22+$0x2080] =	vst v9;
	v9 =	vxor.u32 v10, v11  }
0x55: {  	[tilespmem:s24+$0x2080] =	vst v9  }
.LBB2_5:
0x56: {  	_ =	swait.ge [sflag:s17], $0x600  }
0x57: {  	[sflag:s17] =	ssyncset.done $0x0  }
0x58: {  	s22 =	simm.s32 $0x0;
	[sflag:s17] =	ssyncadd.s32 $0xFFFFFA00  }
0x59: {  	v9 =	vld [tilespmem:s22+$0x0];
	_ =	sdelay $0x4  }
0x5a: {  	vm5 =	veq.s32 v9, $0x1  }
0x5b: {  	vm6 =	veq.s32 v9, $0x0;
	v9 =	vmpcnt.ones.xlane vm5  }
0x5c: {  	v11 =	vmpcnt.ones.xlane vm6  }
0x5d: {  	(v2sf) =	vpush v9, $0x0  }
0x5e: {  	(v2sf) =	vpush v11, $0x0;
	_ =	sdelay $0x3  }
0x5f: {  	v10 =	vor.u32 s22, v0  }
0x60: {  	[tilespmem:s22+$0x1200] =	vst.msk vm5, v10  }
0x61: {  	s25 =	simm.s32 $0x10;
	[tilespmem:s22+$0x1800] =	vst.msk vm6, v10  }
0x62: {  	s26 =	simm.s32 $0x20;
	s24 =	simm.s32 $0x0;
	s28 =	simm.s32 $0x10;
	v9 =	vld [tilespmem:s25+$0x0]  }
.LBB2_6:
0x63: {  	p0 =	sne.s32 s26, $0x5F0;
	_ =	sdelay $0x3  }
0x64: {  	vm5 =	veq.s32 v9, $0x1;
	vm6 =	veq.s32 v9, $0x0  }
0x65: {  	v9 =	vmpcnt.ones.xlane vm5;
	v10 =	vmpcnt.ones.xlane vm6  }
0x66: {  	s29 =	spop (v2sf)  }
0x67: {  	v11 =	vor.u32 s25, v0;
	s25 =	smov.u32 s26;
	(v2sf) =	vpush v9, $0x0;
	s22 =	sadd.s32 s22, s29;
	s29 =	spop (v2sf)  }
0x68: {  	[tilespmem:s22+$0x1200] =	vst.msk vm5, v11;
	(v2sf) =	vpush v10, $0x0;
	s24 =	sadd.s32 s24, s29  }
0x69: {  	[tilespmem:s24+$0x1800] =	vst.msk vm6, v11;
	_ =	sdelay $0x1  }
.Ltmp4:
0x6a: {  	(pc) =	sbr.rel @p0 .LBB2_6-.Ltmp4, $3  }
0x6b: {  	_ =	sdelay $0x1  }
0x6c: {  	s28 =	sadd.s32 $0x10, s28  }
0x6d: {  	s26 =	sadd.s32 $0x10, s26;
	v9 =	vld [tilespmem:s28+$0x0]  }
0x6e: {  	_ =	sdelay $0x3  }
0x6f: {  	vm5 =	veq.s32 v9, $0x1  }
0x70: {  	v10 =	vmpcnt.ones.xlane vm5;
	_ =	sdelay $0x1  }
0x71: {  	(v2sf) =	vpush v10, $0x0;
	_ =	sdelay $0x9  }
0x72: {  	vm6 =	veq.s32 v9, $0x0  }
0x73: {  	v9 =	vmpcnt.ones.xlane vm6;
	_ =	sdelay $0x1  }
0x74: {  	s26 =	spop (v2sf);
	(v2sf) =	vpush v9, $0x0  }
0x75: {  	s28 =	spop (v2sf)  }
0x76: {  	s29 =	sadd.s32 s22, s26;
	s30 =	spop (v2sf)  }
0x77: {  	s22 =	sadd.s32 s29, s30  }
0x78: {  	s26 =	sadd.s32 $0xF, s22  }
0x79: {  	s30 =	sand.u32 $0xF, s26  }
0x7a: {  	s31 =	sshra.s32 s26, $0x1F;
	p1 =	slt.s32 s26, $0x1;
	p0 =	sne.s32 s30, $0x0  }
0x7b: {  	s30 =	sshrl.u32 s31, $0x1C;
	p0 =	por !p1, !p0  }
0x7c: {  	s26 =	sadd.s32 s30, s26;
	s30 =	simm.s32 $0x1;
	p0 =	por !p0, !p0  }
0x7d: {  	s26 =	sshra.s32 s26, $0x4;
	s30 =	simm.s32 @!p0 $0x0  }
0x7e: {  	s26 =	ssub.s32 s26, s30  }
0x7f: {  	p0 =	slt.s32 s26, $0x1  }
.Ltmp5:
0x80: {  	_ = 	snop;
	(pc) =	sbr.rel @p0 .LBB2_10-.Ltmp5, $4  }
0x81: {  	_ = 	snop  }
0x82: {  	v9 =	vor.u32 s25, v0  }
0x83: {  	s24 =	sadd.s32 s24, s28;
	[tilespmem:s29+$0x1200] =	vst.msk vm5, v9;
	s31 =	spop (v2sf)  }
0x84: {  	[tilespmem:s24+$0x1800] =	vst.msk vm6, v9;
	s24 =	sadd.s32 s24, s31  }
0x85: {  	s25 =	simm.s32 $0x1200  }
0x86: {  	p0 =	sne.s32 s26, $0x1;
	v9 =	vld [tilespmem:s25+$0x0]  }
.Ltmp6:
0x87: {  	_ = 	snop;
	(pc) =	sbr.rel @!p0 .LBB2_10-.Ltmp6, $3  }
0x88: {  	_ =	sdelay $0x1  }
0x89: {  	s25 =	sadd.s32 $0x1800, s24  }
0x8a: {  	s26 =	sadd.s32 $0xFFFFFFFF, s26;
	s28 =	simm.s32 $0x1210;
	[tilespmem:s25+$0x0] =	vst v9  }
.LBB2_9:
0x8b: {  	v9 =	vld [tilespmem:s28+$0x0];
	p0 =	sne.s32 s26, $0x1;
	s26 =	sadd.s32 $0xFFFFFFFF, s26  }
.Ltmp7:
0x8c: {  	(pc) =	sbr.rel @p0 .LBB2_9-.Ltmp7, $3  }
0x8d: {  	_ =	sdelay $0x1  }
0x8e: {  	s25 =	sadd.s32 $0x10, s25  }
0x8f: {  	s28 =	sadd.s32 $0x10, s28;
	[tilespmem:s25+$0x0] =	vst v9  }
.LBB2_10:
0x90: {  	s25 =	sadd.s32 $0xFFFFFFFF, s22  }
0x91: {  	p0 =	slt.s32 s25, $0x1  }
.Ltmp8:
0x92: {  	_ = 	snop;
	(pc) =	sbr.rel @p0 .LBB2_22-.Ltmp8, $1  }
0x93: {  	_ =	sdelay $0x3  }
0x94: {  	v9 =	vmov s25  }
0x95: {  	v10 =	vshrl.u32 v9, $0x1  }
0x96: {  	v10 =	vor.u32 s25, v10  }
0x97: {  	v11 =	vshrl.u32 v10, $0x2  }
0x98: {  	v10 =	vor.u32 v10, v11  }
0x99: {  	v11 =	vshrl.u32 v10, $0x4  }
.Ltmp9:
0x9a: {  	v10 =	vor.u32 v10, v11;
	(pc) =	sbr.rel .LBB2_12-.Ltmp9, $4  }
0x9b: {  	v11 =	vshrl.u32 v10, $0x8  }
0x9c: {  	v10 =	vor.u32 v10, v11  }
0x9d: {  	v11 =	vshrl.u32 v10, $0x10  }
0x9e: {  	v10 =	vor.u32 v10, v11;
	v11 =	vmov s24  }
.LBB2_17:
0x9f: {  	vm5 =	vmmov vm0  }
.LBB2_21:
0xa0: {  	(v2sf) =	vpush v9, $0x0;
	_ =	sdelay $0xc  }
0xa1: {  	v13 =	vld.idx.msk [tilespmem:v12+s19+$0x0], $0xffff;
	_ =	sdelay $0x1  }
0xa2: {  	s25 =	spop (v2sf)  }
0xa3: {  	p0 =	sgt.s32 s25, $0x0  }
.Ltmp10:
0xa4: {  	_ = 	snop;
	(pc) =	sbr.rel @!p0 .LBB2_22-.Ltmp10, $3  }
0xa5: {  	v14 =	vbroadcast v13, $0x1;
	v13 =	vbroadcast v13, $0x0;
	_ =	sdelay $0x1  }
0xa6: {  	v13 =	vsel vm1, v14, v13  }
0xa7: {  	s23 =	sadd.s32 s23, s26;
	[tilespmem:v12+s19+$0x0] =	vst.idx.msk vm5, v13  }
.LBB2_12:
0xa8: {  	p0 =	slt.s32 s23, $0x270  }
.Ltmp11:
0xa9: {  	_ = 	snop;
	(pc) =	sbr.rel @p0 .LBB2_16-.Ltmp11, $1  }
0xaa: {  	_ =	sdelay $0x3  }
0xab: {  	s23 =	simm.s32 $0x0  }
0xac: {  	v12 =	vmov s23  }
0xad: {  	v13 =	vadd.s32 s23, v3;
	vm5 =	veq.s32 v12, v2  }
0xae: {  	v13 =	vsel vm5, $0x0, v13  }
0xaf: {  	vm5 =	vlt.u32 v12, v4  }
0xb0: {  	v12 =	vsel vm5, v6, v5  }
0xb1: {  	s28 =	simm.s32 $0x1E00;
	v12 =	vadd.s32 s23, v12  }
0xb2: {  	v14 =	vld [tilespmem:s28+$0x0]  }
0xb3: {  	v13 =	vld.idx.msk [tilespmem:v13+s15+$0x0], $0xffff;
	_ =	sdelay $0x2  }
0xb4: {  	v12 =	vld.idx.msk [tilespmem:v12+s15+$0x0], $0xffff;
	_ =	sdelay $0x1  }
0xb5: {  	v14 =	vand.u32 $0x80000000, v14;
	v15 =	vand.u32 $0x7FFFFFFE, v13  }
0xb6: {  	v13 =	vand.u32 $0x1, v13;
	v14 =	vor.u32 v14, v15  }
0xb7: {  	vm5 =	veq.s32 v13, $0x0;
	v14 =	vshrl.u32 v14, $0x1  }
0xb8: {  	v13 =	vsel vm5, $0x0, v7;
	v12 =	vxor.u32 v12, v14  }
0xb9: {  	v12 =	vxor.u32 v13, v12  }
0xba: {  	v13 =	vshrl.u32 v12, $0xB  }
0xbb: {  	v13 =	vxor.u32 v12, v13  }
0xbc: {  	v14 =	vshll.u32 v13, $0x7  }
0xbd: {  	s29 =	simm.s32 $0x10;
	v14 =	vand.u32 $0x9D2C5680, v14  }
0xbe: {  	v15 =	vmov s29;
	v13 =	vxor.u32 v13, v14  }
0xbf: {  	vm5 =	veq.s32 v15, v2;
	v14 =	vadd.s32 s29, v3;
	v16 =	vshll.u32 v13, $0xF  }
0xc0: {  	v14 =	vsel vm5, $0x0, v14;
	v16 =	vand.u32 $0xEFC60000, v16  }
0xc1: {  	v13 =	vxor.u32 v13, v16  }
0xc2: {  	vm5 =	vlt.u32 v15, v4;
	v15 =	vshrl.u32 v13, $0x12  }
0xc3: {  	s26 =	simm.s32 $0x2080;
	[tilespmem:s28+$0x0] =	vst v12;
	v12 =	vsel vm5, v6, v5;
	v13 =	vxor.u32 v13, v15  }
0xc4: {  	v12 =	vadd.s32 s29, v12;
	[tilespmem:s26+$0x0] =	vst v13  }
0xc5: {  	s28 =	simm.s32 $0x1E10;
	v13 =	vld.idx.msk [tilespmem:v14+s15+$0x0], $0xffff  }
0xc6: {  	v14 =	vld [tilespmem:s28+$0x0];
	_ =	sdelay $0x2  }
0xc7: {  	v12 =	vld.idx.msk [tilespmem:v12+s15+$0x0], $0xffff;
	_ =	sdelay $0x1  }
0xc8: {  	v14 =	vand.u32 $0x80000000, v14;
	v15 =	vand.u32 $0x7FFFFFFE, v13  }
0xc9: {  	v13 =	vand.u32 $0x1, v13;
	v14 =	vor.u32 v14, v15  }
0xca: {  	vm5 =	veq.s32 v13, $0x0;
	v14 =	vshrl.u32 v14, $0x1  }
0xcb: {  	v13 =	vsel vm5, $0x0, v7;
	v12 =	vxor.u32 v12, v14  }
0xcc: {  	v12 =	vxor.u32 v13, v12  }
0xcd: {  	v13 =	vshrl.u32 v12, $0xB  }
0xce: {  	v13 =	vxor.u32 v12, v13  }
0xcf: {  	v14 =	vshll.u32 v13, $0x7  }
0xd0: {  	s29 =	simm.s32 $0x20;
	v14 =	vand.u32 $0x9D2C5680, v14  }
0xd1: {  	s30 =	simm.s32 $0x30;
	[tilespmem:s28+$0x0] =	vst v12;
	v12 =	vmov s29;
	v13 =	vxor.u32 v13, v14  }
.LBB2_14:
0xd2: {  	p0 =	sne.s32 s30, $0x260;
	vm5 =	veq.s32 v12, v2;
	v14 =	vadd.s32 s29, v3;
	v15 =	vshll.u32 v13, $0xF  }
0xd3: {  	v14 =	vsel vm5, $0x0, v14;
	v15 =	vand.u32 $0xEFC60000, v15  }
0xd4: {  	vm5 =	vlt.u32 v12, v4;
	v12 =	vxor.u32 v13, v15  }
0xd5: {  	v13 =	vsel vm5, v6, v5;
	v15 =	vshrl.u32 v12, $0x12  }
0xd6: {  	s26 =	sadd.s32 $0x10, s26;
	v13 =	vadd.s32 s29, v13;
	s29 =	smov.u32 s30;
	v12 =	vxor.u32 v12, v15  }
0xd7: {  	[tilespmem:s26+$0x0] =	vst v12  }
0xd8: {  	s28 =	sadd.s32 $0x10, s28;
	v12 =	vld.idx.msk [tilespmem:v14+s15+$0x0], $0xffff  }
0xd9: {  	v14 =	vld [tilespmem:s28+$0x0];
	_ =	sdelay $0x1  }
0xda: {  	v13 =	vld.idx.msk [tilespmem:v13+s15+$0x0], $0xffff;
	_ =	sdelay $0x2  }
0xdb: {  	v15 =	vand.u32 $0x7FFFFFFE, v12;
	v14 =	vand.u32 $0x80000000, v14  }
0xdc: {  	v12 =	vand.u32 $0x1, v12;
	v14 =	vor.u32 v14, v15  }
0xdd: {  	vm5 =	veq.s32 v12, $0x0;
	v14 =	vshrl.u32 v14, $0x1  }
0xde: {  	v12 =	vxor.u32 v13, v14;
	v13 =	vsel vm5, $0x0, v7  }
0xdf: {  	v12 =	vxor.u32 v13, v12  }
.Ltmp12:
0xe0: {  	[tilespmem:s28+$0x0] =	vst v12;
	v13 =	vshrl.u32 v12, $0xB;
	(pc) =	sbr.rel @p0 .LBB2_14-.Ltmp12, $4  }
0xe1: {  	v13 =	vxor.u32 v12, v13  }
0xe2: {  	v12 =	vshll.u32 v13, $0x7  }
0xe3: {  	v14 =	vand.u32 $0x9D2C5680, v12  }
0xe4: {  	s30 =	sadd.s32 $0x10, s30;
	v12 =	vmov s29;
	v13 =	vxor.u32 v13, v14  }
0xe5: {  	vm5 =	veq.s32 v12, v2;
	v14 =	vadd.s32 s29, v3;
	v15 =	vshll.u32 v13, $0xF  }
0xe6: {  	v14 =	vsel vm5, $0x0, v14;
	v15 =	vand.u32 $0xEFC60000, v15  }
0xe7: {  	v54 =	vxor.u32 v13, v15  }
0xe8: {  	vm5 =	vlt.u32 v12, v4;
	v55 =	vshrl.u32 v54, $0x12  }
0xe9: {  	s26 =	sadd.s32 $0x10, s26;
	v56 =	vsel vm5, v6, v5;
	v12 =	vxor.u32 v54, v55  }
0xea: {  	v57 =	vadd.s32 s29, v56;
	[tilespmem:s26+$0x0] =	vst v12  }
0xeb: {  	s28 =	sadd.s32 $0x10, s28;
	v12 =	vld.idx.msk [tilespmem:v14+s15+$0x0], $0xffff  }
0xec: {  	v58 =	vld [tilespmem:s28+$0x0];
	_ =	sdelay $0x2  }
0xed: {  	v13 =	vld.idx.msk [tilespmem:v57+s15+$0x0], $0xffff;
	_ =	sdelay $0x1  }
0xee: {  	v14 =	vand.u32 $0x80000000, v58;
	v59 =	vand.u32 $0x7FFFFFFE, v12  }
0xef: {  	v12 =	vand.u32 $0x1, v12;
	v14 =	vor.u32 v14, v59  }
0xf0: {  	vm5 =	veq.s32 v12, $0x0;
	v14 =	vshrl.u32 v14, $0x1  }
0xf1: {  	v61 =	vsel vm5, $0x0, v7;
	v60 =	vxor.u32 v13, v14  }
0xf2: {  	v12 =	vxor.u32 v61, v60  }
0xf3: {  	v13 =	vshrl.u32 v12, $0xB  }
0xf4: {  	v13 =	vxor.u32 v12, v13  }
0xf5: {  	v62 =	vshll.u32 v13, $0x7  }
0xf6: {  	v14 =	vand.u32 $0x9D2C5680, v62  }
0xf7: {  	v13 =	vxor.u32 v13, v14  }
0xf8: {  	v14 =	vshll.u32 v13, $0xF  }
0xf9: {  	v14 =	vand.u32 $0xEFC60000, v14  }
0xfa: {  	v13 =	vxor.u32 v13, v14  }
0xfb: {  	v14 =	vshrl.u32 v13, $0x12  }
0xfc: {  	s26 =	sadd.s32 $0x10, s26;
	[tilespmem:s28+$0x0] =	vst v12;
	v63 =	vxor.u32 v13, v14  }
0xfd: {  	[tilespmem:s26+$0x0] =	vst v63  }
.LBB2_16:
0xfe: {  	s26 =	ssub.s32 $0x270, s23  }
0xff: {  	p1 =	slt.s32 s26, $0x1  }
.Ltmp13:
0x100: {  	v12 =	vimm.s32 $0x0;
	(pc) =	sbr.rel @p1 .LBB2_17-.Ltmp13, $3  }
0x101: {  	_ =	sdelay $0x1  }
0x102: {  	p0 =	slt.s32 s25, s26  }
0x103: {  	s26 =	smov.u32 @p0 s25  }
0x104: {  	v13 =	vmov s23;
	_ =	sdelay $0x4  }
0x105: {  	v14 =	vld.idx.msk [tilespmem:v13+s18+$0x0], $0xffff  }
0x106: {  	v15 =	vld.idx.msk [tilespmem:v12+s19+$0x0], $0xffff;
	_ =	sdelay $0x1  }
0x107: {  	v13 =	vadd.s32 $0x1, v13;
	_ =	sdelay $0x1  }
0x108: {  	p0 =	sne.s32 s26, $0x1;
	vm6 =	vmmov vm0;
	v14 =	vand.u32 v10, v14  }
.Ltmp14:
0x109: {  	v17 =	vbroadcast v15, $0x1;
	vm5 =	vle.s32 v14, v9;
	(pc) =	sbr.rel @!p0 .LBB2_20-.Ltmp14, $4  }
0x10a: {  	v18 =	vbroadcast v15, $0x0;
	v14 =	vsel vm5, v14, v9;
	v16 =	vsel vm5, $0xFFFFFFFF, v8  }
0x10b: {  	v15 =	vld.idx.msk [tilespmem:v13+s18+$0x0], $0xffff;
	v14 =	vsel vm1, v9, v14;
	v9 =	vadd.s32 v16, v9;
	v16 =	vshra.s32 v10, $0x1  }
0x10c: {  	vm5 =	vmand vm5, vm2;
	vm7 =	vgt.s32 v9, v16  }
0x10d: {  	s25 =	sadd.s32 $0xFFFFFFFF, s26;
	v14 =	vadd.s32 v11, v14;
	v10 =	vsel vm7, v10, v16;
	v16 =	vsel vm1, v17, v18  }
.LBB2_19:
0x10e: {  	p0 =	sne.s32 s25, $0x1;
	s25 =	sadd.s32 $0xFFFFFFFF, s25;
	[tilespmem:v12+s19+$0x0] =	vst.idx.msk vm6, v16;
	v12 =	vmov v14;
	vm6 =	vmmov vm5  }
0x10f: {  	v16 =	vld.idx.msk [tilespmem:v14+s19+$0x0], $0xffff  }
0x110: {  	v13 =	vadd.s32 $0x1, v13;
	v14 =	vand.u32 v10, v15  }
0x111: {  	vm7 =	vle.s32 v14, v9  }
0x112: {  	v14 =	vsel vm7, v14, v9;
	vm5 =	vmand vm7, vm2;
	v15 =	vsel vm7, $0xFFFFFFFF, v8  }
.Ltmp15:
0x113: {  	v17 =	vshra.s32 v10, $0x1;
	v14 =	vsel vm1, v9, v14;
	v9 =	vadd.s32 v15, v9;
	(pc) =	sbr.rel @p0 .LBB2_19-.Ltmp15, $3  }
0x114: {  	v14 =	vadd.s32 v11, v14;
	vm7 =	vgt.s32 v9, v17  }
0x115: {  	v18 =	vbroadcast v16, $0x1;
	v16 =	vbroadcast v16, $0x0;
	v15 =	vld.idx.msk [tilespmem:v13+s18+$0x0], $0xffff;
	v10 =	vsel vm7, v10, v17;
	_ =	sdelay $0x1  }
0x116: {  	v16 =	vsel vm1, v18, v16  }
.LBB2_20:
0x117: {  	_ = 	snop  }
.Ltmp16:
0x118: {  	_ = 	snop;
	(pc) =	sbr.rel .LBB2_21-.Ltmp16, $2  }
0x119: {  	_ =	sdelay $0x2  }
0x11a: {  	[tilespmem:v12+s19+$0x0] =	vst.idx.msk vm6, v16;
	v12 =	vmov v14  }
.LBB2_22:
0x11b: {  	s25 =	sadd.s32 $0xFFFFFFFF, s24  }
0x11c: {  	p0 =	slt.s32 s25, $0x1  }
.Ltmp17:
0x11d: {  	_ = 	snop;
	(pc) =	sbr.rel @p0 .LBB2_34-.Ltmp17, $1  }
0x11e: {  	_ =	sdelay $0x3  }
0x11f: {  	v9 =	vmov s25  }
0x120: {  	v10 =	vshrl.u32 v9, $0x1  }
0x121: {  	v10 =	vor.u32 s25, v10  }
0x122: {  	v11 =	vshrl.u32 v10, $0x2  }
0x123: {  	v10 =	vor.u32 v10, v11  }
0x124: {  	v11 =	vshrl.u32 v10, $0x4  }
.Ltmp18:
0x125: {  	v10 =	vor.u32 v10, v11;
	(pc) =	sbr.rel .LBB2_24-.Ltmp18, $4  }
0x126: {  	v11 =	vshrl.u32 v10, $0x8  }
0x127: {  	v10 =	vor.u32 v10, v11  }
0x128: {  	v11 =	vshrl.u32 v10, $0x10  }
0x129: {  	v10 =	vor.u32 v10, v11  }
.LBB2_29:
0x12a: {  	vm5 =	vmmov vm0  }
.LBB2_33:
0x12b: {  	(v2sf) =	vpush v9, $0x0;
	_ =	sdelay $0xc  }
0x12c: {  	v12 =	vld.idx.msk [tilespmem:v11+s19+$0x0], $0xffff;
	_ =	sdelay $0x1  }
0x12d: {  	s25 =	spop (v2sf)  }
0x12e: {  	p0 =	sgt.s32 s25, $0x0  }
.Ltmp19:
0x12f: {  	_ = 	snop;
	(pc) =	sbr.rel @!p0 .LBB2_34-.Ltmp19, $3  }
0x130: {  	v13 =	vbroadcast v12, $0x1;
	v12 =	vbroadcast v12, $0x0;
	_ =	sdelay $0x1  }
0x131: {  	v12 =	vsel vm1, v13, v12  }
0x132: {  	s23 =	sadd.s32 s23, s26;
	[tilespmem:v11+s19+$0x0] =	vst.idx.msk vm5, v12  }
.LBB2_24:
0x133: {  	p0 =	slt.s32 s23, $0x270  }
.Ltmp20:
0x134: {  	_ = 	snop;
	(pc) =	sbr.rel @p0 .LBB2_28-.Ltmp20, $1  }
0x135: {  	_ =	sdelay $0x3  }
0x136: {  	s23 =	simm.s32 $0x0  }
0x137: {  	v11 =	vmov s23  }
0x138: {  	v12 =	vadd.s32 s23, v3;
	vm5 =	veq.s32 v11, v2  }
0x139: {  	v12 =	vsel vm5, $0x0, v12  }
0x13a: {  	vm5 =	vlt.u32 v11, v4  }
0x13b: {  	v11 =	vsel vm5, v6, v5  }
0x13c: {  	s28 =	simm.s32 $0x1E00;
	v11 =	vadd.s32 s23, v11  }
0x13d: {  	v13 =	vld [tilespmem:s28+$0x0]  }
0x13e: {  	v12 =	vld.idx.msk [tilespmem:v12+s15+$0x0], $0xffff;
	_ =	sdelay $0x2  }
0x13f: {  	v11 =	vld.idx.msk [tilespmem:v11+s15+$0x0], $0xffff;
	_ =	sdelay $0x1  }
0x140: {  	v13 =	vand.u32 $0x80000000, v13;
	v14 =	vand.u32 $0x7FFFFFFE, v12  }
0x141: {  	v12 =	vand.u32 $0x1, v12;
	v13 =	vor.u32 v13, v14  }
0x142: {  	vm5 =	veq.s32 v12, $0x0;
	v13 =	vshrl.u32 v13, $0x1  }
0x143: {  	v12 =	vsel vm5, $0x0, v7;
	v11 =	vxor.u32 v11, v13  }
0x144: {  	v11 =	vxor.u32 v12, v11  }
0x145: {  	v12 =	vshrl.u32 v11, $0xB  }
0x146: {  	v12 =	vxor.u32 v11, v12  }
0x147: {  	v13 =	vshll.u32 v12, $0x7  }
0x148: {  	s29 =	simm.s32 $0x10;
	v13 =	vand.u32 $0x9D2C5680, v13  }
0x149: {  	v14 =	vmov s29;
	v12 =	vxor.u32 v12, v13  }
0x14a: {  	vm5 =	veq.s32 v14, v2;
	v13 =	vadd.s32 s29, v3;
	v15 =	vshll.u32 v12, $0xF  }
0x14b: {  	v13 =	vsel vm5, $0x0, v13;
	v15 =	vand.u32 $0xEFC60000, v15  }
0x14c: {  	v12 =	vxor.u32 v12, v15  }
0x14d: {  	vm5 =	vlt.u32 v14, v4;
	v14 =	vshrl.u32 v12, $0x12  }
0x14e: {  	s26 =	simm.s32 $0x2080;
	[tilespmem:s28+$0x0] =	vst v11;
	v11 =	vsel vm5, v6, v5;
	v12 =	vxor.u32 v12, v14  }
0x14f: {  	v11 =	vadd.s32 s29, v11;
	[tilespmem:s26+$0x0] =	vst v12  }
0x150: {  	s28 =	simm.s32 $0x1E10;
	v12 =	vld.idx.msk [tilespmem:v13+s15+$0x0], $0xffff  }
0x151: {  	v13 =	vld [tilespmem:s28+$0x0];
	_ =	sdelay $0x2  }
0x152: {  	v11 =	vld.idx.msk [tilespmem:v11+s15+$0x0], $0xffff;
	_ =	sdelay $0x1  }
0x153: {  	v13 =	vand.u32 $0x80000000, v13;
	v14 =	vand.u32 $0x7FFFFFFE, v12  }
0x154: {  	v12 =	vand.u32 $0x1, v12;
	v13 =	vor.u32 v13, v14  }
0x155: {  	vm5 =	veq.s32 v12, $0x0;
	v13 =	vshrl.u32 v13, $0x1  }
0x156: {  	v12 =	vsel vm5, $0x0, v7;
	v11 =	vxor.u32 v11, v13  }
0x157: {  	v11 =	vxor.u32 v12, v11  }
0x158: {  	v12 =	vshrl.u32 v11, $0xB  }
0x159: {  	v12 =	vxor.u32 v11, v12  }
0x15a: {  	v13 =	vshll.u32 v12, $0x7  }
0x15b: {  	s29 =	simm.s32 $0x20;
	v13 =	vand.u32 $0x9D2C5680, v13  }
0x15c: {  	s30 =	simm.s32 $0x30;
	[tilespmem:s28+$0x0] =	vst v11;
	v11 =	vmov s29;
	v12 =	vxor.u32 v12, v13  }
.LBB2_26:
0x15d: {  	p0 =	sne.s32 s30, $0x260;
	vm5 =	veq.s32 v11, v2;
	v13 =	vadd.s32 s29, v3;
	v14 =	vshll.u32 v12, $0xF  }
0x15e: {  	v13 =	vsel vm5, $0x0, v13;
	v14 =	vand.u32 $0xEFC60000, v14  }
0x15f: {  	vm5 =	vlt.u32 v11, v4;
	v11 =	vxor.u32 v12, v14  }
0x160: {  	v12 =	vsel vm5, v6, v5;
	v14 =	vshrl.u32 v11, $0x12  }
0x161: {  	s26 =	sadd.s32 $0x10, s26;
	v12 =	vadd.s32 s29, v12;
	s29 =	smov.u32 s30;
	v11 =	vxor.u32 v11, v14  }
0x162: {  	[tilespmem:s26+$0x0] =	vst v11  }
0x163: {  	s28 =	sadd.s32 $0x10, s28;
	v11 =	vld.idx.msk [tilespmem:v13+s15+$0x0], $0xffff  }
0x164: {  	v13 =	vld [tilespmem:s28+$0x0];
	_ =	sdelay $0x1  }
0x165: {  	v12 =	vld.idx.msk [tilespmem:v12+s15+$0x0], $0xffff;
	_ =	sdelay $0x2  }
0x166: {  	v14 =	vand.u32 $0x7FFFFFFE, v11;
	v13 =	vand.u32 $0x80000000, v13  }
0x167: {  	v11 =	vand.u32 $0x1, v11;
	v13 =	vor.u32 v13, v14  }
0x168: {  	vm5 =	veq.s32 v11, $0x0;
	v13 =	vshrl.u32 v13, $0x1  }
0x169: {  	v11 =	vxor.u32 v12, v13;
	v12 =	vsel vm5, $0x0, v7  }
0x16a: {  	v11 =	vxor.u32 v12, v11  }
.Ltmp21:
0x16b: {  	[tilespmem:s28+$0x0] =	vst v11;
	v12 =	vshrl.u32 v11, $0xB;
	(pc) =	sbr.rel @p0 .LBB2_26-.Ltmp21, $4  }
0x16c: {  	v12 =	vxor.u32 v11, v12  }
0x16d: {  	v11 =	vshll.u32 v12, $0x7  }
0x16e: {  	v13 =	vand.u32 $0x9D2C5680, v11  }
0x16f: {  	s30 =	sadd.s32 $0x10, s30;
	v11 =	vmov s29;
	v12 =	vxor.u32 v12, v13  }
0x170: {  	vm5 =	veq.s32 v11, v2;
	v13 =	vadd.s32 s29, v3;
	v14 =	vshll.u32 v12, $0xF  }
0x171: {  	v13 =	vsel vm5, $0x0, v13;
	v14 =	vand.u32 $0xEFC60000, v14  }
0x172: {  	v57 =	vxor.u32 v12, v14  }
0x173: {  	vm5 =	vlt.u32 v11, v4;
	v11 =	vshrl.u32 v57, $0x12  }
0x174: {  	s26 =	sadd.s32 $0x10, s26;
	v58 =	vsel vm5, v6, v5;
	v11 =	vxor.u32 v57, v11  }
0x175: {  	v59 =	vadd.s32 s29, v58;
	[tilespmem:s26+$0x0] =	vst v11  }
0x176: {  	s28 =	sadd.s32 $0x10, s28;
	v11 =	vld.idx.msk [tilespmem:v13+s15+$0x0], $0xffff  }
0x177: {  	v60 =	vld [tilespmem:s28+$0x0];
	_ =	sdelay $0x2  }
0x178: {  	v12 =	vld.idx.msk [tilespmem:v59+s15+$0x0], $0xffff;
	_ =	sdelay $0x1  }
0x179: {  	v13 =	vand.u32 $0x80000000, v60;
	v61 =	vand.u32 $0x7FFFFFFE, v11  }
0x17a: {  	v11 =	vand.u32 $0x1, v11;
	v13 =	vor.u32 v13, v61  }
0x17b: {  	vm5 =	veq.s32 v11, $0x0;
	v13 =	vshrl.u32 v13, $0x1  }
0x17c: {  	v62 =	vsel vm5, $0x0, v7;
	v11 =	vxor.u32 v12, v13  }
0x17d: {  	v11 =	vxor.u32 v62, v11  }
0x17e: {  	v12 =	vshrl.u32 v11, $0xB  }
0x17f: {  	v12 =	vxor.u32 v11, v12  }
0x180: {  	v63 =	vshll.u32 v12, $0x7  }
0x181: {  	v13 =	vand.u32 $0x9D2C5680, v63  }
0x182: {  	v12 =	vxor.u32 v12, v13  }
0x183: {  	v13 =	vshll.u32 v12, $0xF  }
0x184: {  	v13 =	vand.u32 $0xEFC60000, v13  }
0x185: {  	v12 =	vxor.u32 v12, v13  }
0x186: {  	v13 =	vshrl.u32 v12, $0x12  }
0x187: {  	s26 =	sadd.s32 $0x10, s26;
	[tilespmem:s28+$0x0] =	vst v11;
	v11 =	vxor.u32 v12, v13  }
0x188: {  	[tilespmem:s26+$0x0] =	vst v11  }
.LBB2_28:
0x189: {  	s26 =	ssub.s32 $0x270, s23  }
0x18a: {  	p1 =	slt.s32 s26, $0x1  }
.Ltmp22:
0x18b: {  	v11 =	vimm.s32 $0x0;
	(pc) =	sbr.rel @p1 .LBB2_29-.Ltmp22, $3  }
0x18c: {  	_ =	sdelay $0x1  }
0x18d: {  	p0 =	slt.s32 s25, s26  }
0x18e: {  	s26 =	smov.u32 @p0 s25  }
0x18f: {  	v12 =	vmov s23;
	_ =	sdelay $0x4  }
0x190: {  	v13 =	vld.idx.msk [tilespmem:v12+s18+$0x0], $0xffff  }
0x191: {  	v14 =	vld.idx.msk [tilespmem:v11+s19+$0x0], $0xffff;
	_ =	sdelay $0x2  }
0x192: {  	v12 =	vadd.s32 $0x1, v12  }
0x193: {  	p0 =	sne.s32 s26, $0x1;
	vm6 =	vmmov vm0;
	v13 =	vand.u32 v10, v13  }
.Ltmp23:
0x194: {  	v16 =	vbroadcast v14, $0x1;
	vm5 =	vle.s32 v13, v9;
	(pc) =	sbr.rel @!p0 .LBB2_32-.Ltmp23, $4  }
0x195: {  	v17 =	vbroadcast v14, $0x0;
	v13 =	vsel vm5, v13, v9;
	v15 =	vsel vm5, $0xFFFFFFFF, v8  }
0x196: {  	v13 =	vsel vm1, v9, v13;
	v9 =	vadd.s32 v15, v9;
	v15 =	vshra.s32 v10, $0x1  }
0x197: {  	v14 =	vld.idx.msk [tilespmem:v12+s18+$0x0], $0xffff;
	vm7 =	vgt.s32 v9, v15  }
0x198: {  	s25 =	sadd.s32 $0xFFFFFFFF, s26;
	vm5 =	vmand vm5, vm2;
	v10 =	vsel vm7, v10, v15;
	v15 =	vsel vm1, v16, v17  }
.LBB2_31:
0x199: {  	p0 =	sne.s32 s25, $0x1;
	s25 =	sadd.s32 $0xFFFFFFFF, s25;
	[tilespmem:v11+s19+$0x0] =	vst.idx.msk vm6, v15;
	v11 =	vmov v13;
	vm6 =	vmmov vm5  }
0x19a: {  	v15 =	vld.idx.msk [tilespmem:v13+s19+$0x0], $0xffff;
	_ =	sdelay $0x1  }
0x19b: {  	v12 =	vadd.s32 $0x1, v12;
	v13 =	vand.u32 v10, v14  }
0x19c: {  	vm7 =	vle.s32 v13, v9  }
.Ltmp24:
0x19d: {  	v13 =	vsel vm7, v13, v9;
	vm5 =	vmand vm7, vm2;
	v14 =	vsel vm7, $0xFFFFFFFF, v8;
	(pc) =	sbr.rel @p0 .LBB2_31-.Ltmp24, $4  }
0x19e: {  	v16 =	vshra.s32 v10, $0x1;
	v13 =	vsel vm1, v9, v13;
	v9 =	vadd.s32 v14, v9  }
0x19f: {  	v17 =	vbroadcast v15, $0x1;
	v15 =	vbroadcast v15, $0x0;
	vm7 =	vgt.s32 v9, v16  }
0x1a0: {  	v14 =	vld.idx.msk [tilespmem:v12+s18+$0x0], $0xffff;
	v10 =	vsel vm7, v10, v16  }
0x1a1: {  	v15 =	vsel vm1, v17, v15  }
.LBB2_32:
0x1a2: {  	_ = 	snop  }
.Ltmp25:
0x1a3: {  	_ = 	snop;
	(pc) =	sbr.rel .LBB2_33-.Ltmp25, $2  }
0x1a4: {  	_ =	sdelay $0x2  }
0x1a5: {  	[tilespmem:v11+s19+$0x0] =	vst.idx.msk vm6, v15;
	v11 =	vmov v13  }
.LBB2_34:
0x1a6: {  	_ =	swait.ge [sflag:s20], $0x600  }
0x1a7: {  	[sflag:s20] =	ssyncset.done $0x0  }
0x1a8: {  	[sflag:s20] =	ssyncadd.s32 $0xFFFFFA00  }
0x1a9: {  	_ =	swait.ge [sflag:s20], $0x600  }
0x1aa: {  	[sflag:s20] =	ssyncset.done $0x0  }
0x1ab: {  	[sflag:s20] =	ssyncadd.s32 $0xFFFFFA00  }
0x1ac: {  	_ =	swait.ge [sflag:s20], $0x80  }
0x1ad: {  	[sflag:s20] =	ssyncset.done $0x0  }
0x1ae: {  	[sflag:s20] =	ssyncadd.s32 $0xFFFFFF80  }
0x1af: {  	v9 =	vld [tilespmem:s24+$0x1800]  }
0x1b0: {  	p0 =	slt.s32 s22, $0x10;
	s23 =	smov.u32 s22  }
0x1b1: {  	s23 =	simm.s32 @!p0 $0x10  }
0x1b2: {  	v10 =	vmov s23  }
0x1b3: {  	vm5 =	vgt.s32 v10, v0  }
0x1b4: {  	v9 =	vnsel vm5, $0x0, v9;
	_ =	sdelay $0x4  }
0x1b5: {  	v9 =	vld.idx.msk [tilespmem:v9+s11+$0x0], $0xffff;
	_ =	sdelay $0x4  }
0x1b6: {  	v9 =	vnsel vm5, $0x0, v9  }
0x1b7: {  	(xrf2) =	vadd.scan.msk.f32 $0xffff, v9;
	_ =	sdelay $0x5  }
0x1b8: {  	s25 =	scvt.s32.f32 s22;
	_ =	sdelay $0x1  }
0x1b9: {  	s25 =	smul.f32 $3.000000000e+00, s25;
	_ =	sdelay $0x1  }
0x1ba: {  	s25 =	scvt.f32.s32 s25;
	v9, _, _ =	vpop (xrf2)  }
0x1bb: {  	(v2sf) =	vpush v9, $0xF  }
0x1bc: {  	p0 =	slt.s32 s25, s24  }
0x1bd: {  	s24 =	smov.u32 @p0 s25  }
0x1be: {  	s25 =	sadd.s32 $0xF, s24  }
0x1bf: {  	s26 =	sand.u32 $0xF, s25  }
0x1c0: {  	s28 =	sshra.s32 s25, $0x1F;
	p6 =	slt.s32 s25, $0x1;
	p1 =	sne.s32 s26, $0x0  }
0x1c1: {  	s31 =	sshrl.u32 s28, $0x1C;
	p0 =	por !p6, !p1  }
0x1c2: {  	s26 =	simm.s32 $0x1;
	s25 =	sadd.s32 s31, s25;
	p0 =	por !p0, !p0  }
0x1c3: {  	s25 =	sshra.s32 s25, $0x4;
	s26 =	simm.s32 @!p0 $0x0  }
0x1c4: {  	s26 =	ssub.s32 s25, s26  }
0x1c5: {  	p0 =	slt.s32 s26, $0x1  }
.Ltmp26:
0x1c6: {  	_ = 	snop;
	(pc) =	sbr.rel @p0 .LBB2_35-.Ltmp26, $2  }
0x1c7: {  	_ =	sdelay $0x2  }
0x1c8: {  	v9 =	vld [tilespmem:$0x2300];
	s25 =	spop (v2sf)  }
0x1c9: {  	s28 =	simm.s32 $0x1800  }
0x1ca: {  	p1 =	sne.s32 s26, $0x1;
	v12 =	vld [tilespmem:s28+$0x0]  }
.Ltmp27:
0x1cb: {  	_ = 	snop;
	(pc) =	sbr.rel @!p1 .LBB2_37-.Ltmp27, $4  }
0x1cc: {  	s28 =	simm.s32 $0x0  }
0x1cd: {  	v11 =	vmov s24;
	v10 =	vor.u32 s28, v0  }
0x1ce: {  	vm7 =	vlt.s32 v10, v11  }
0x1cf: {  	p0 =	por $0x0, $0x0;
	s28 =	sadd.s32 $0xFFFFFFFF, s26;
	s26 =	simm.s32 $0x1810;
	v10 =	vimm.f32 $0.0e+00;
	v12 =	vnsel vm7, $0x0, v12  }
0x1d0: {  	v14 =	vld [tilespmem:s26+$0x0];
	p1 =	sne.s32 s28, $0x1  }
.Ltmp28:
0x1d1: {  	_ = 	snop;
	(pc) =	sbr.rel @!p1 .LBB2_39-.Ltmp28, $4  }
0x1d2: {  	s26 =	simm.s32 $0x10  }
0x1d3: {  	v13 =	vor.u32 s26, v0  }
0x1d4: {  	vm6 =	vlt.s32 v13, v11  }
0x1d5: {  	s28 =	sadd.s32 $0xFFFFFFFF, s28;
	vm5 =	vmmov vm7;
	s29 =	simm.s32 $0x1820;
	p0 =	por $0x1, $0x1;
	v13 =	vld.idx.msk [tilespmem:v12+s12+$0x0], $0xffff;
	v12 =	vnsel vm6, $0x0, v14;
	v14 =	vimm.f32 $0.0e+00  }
.LBB2_40:
0x1d6: {  	v15 =	vld [tilespmem:s29+$0x0];
	p1 =	sne.s32 s28, $0x1;
	s28 =	sadd.s32 $0xFFFFFFFF, s28  }
.Ltmp29:
0x1d7: {  	(pc) =	sbr.rel @p1 .LBB2_40-.Ltmp29, $4  }
0x1d8: {  	s26 =	sadd.s32 $0x10, s26  }
0x1d9: {  	v16 =	vor.u32 s26, v0  }
0x1da: {  	v17 =	vnsel vm5, $0x0, v13;
	vm5 =	vmmov vm6;
	vm6 =	vlt.s32 v16, v11;
	v13 =	vld.idx.msk [tilespmem:v12+s12+$0x0], $0xffff  }
0x1db: {  	s29 =	sadd.s32 $0x10, s29;
	v14 =	vadd.f32 v17, v14;
	v12 =	vnsel vm6, $0x0, v15  }
0x1dc: {  	vm7 =	vmmov vm6  }
.LBB2_42:
0x1dd: {  	_ =	sdelay $0x3  }
0x1de: {  	v11 =	vld.idx.msk [tilespmem:v12+s12+$0x0], $0xffff;
	_ =	sdelay $0x1  }
0x1df: {  	v12 =	vnsel @p0 vm5, $0x0, v13  }
.Ltmp30:
0x1e0: {  	v12 =	vadd.f32 @p0 v12, v14;
	(pc) =	sbr.rel .LBB2_43-.Ltmp30, $3  }
0x1e1: {  	vm5 =	vmmov vm7  }
0x1e2: {  	v10 =	vpsel p0, v12, v10;
	v11 =	vnsel vm5, $0x0, v11  }
0x1e3: {  	v10 =	vadd.f32 v11, v10;
	_ =	sdelay $0x1  }
.LBB2_37:
.Ltmp31:
0x1e4: {  	(pc) =	sbr.rel .LBB2_42-.Ltmp31, $2  }
0x1e5: {  	_ =	sdelay $0x2  }
0x1e6: {  	v14 =	vimm.f32 $0.0e+00  }
.LBB2_39:
.Ltmp32:
0x1e7: {  	(pc) =	sbr.rel .LBB2_42-.Ltmp32, $2  }
0x1e8: {  	_ =	sdelay $0x2  }
0x1e9: {  	vm7 =	vmmov vm6;
	v14 =	vimm.f32 $0.0e+00  }
.LBB2_44:
0x1ea: {  	_ =	sfence.sel $0x180000  }
0x1eb: {  	[bflag:$0x0] =	sbarrier.arrive $0xFFFF  }
0x1ec: {  	p0 =	sne.s32 s0, $0x0;
	_ =	strace $0x90000047  }
0x1ed: {  	s0 =	sadd.s32 @!p0 $0x100000, s1;
	[bflag:$0x2] =	sbarrier.arrive $0xFFFF  }
0x1ee: {  	[sflag:s0] =	ssyncadd.tile.s32 @!p0 $0x1;
	_ =	shalt  }
.Lfunc_end2:
_tile_overlayer_lowered:
.L_overlay_start_2:
0x1ef: {  	(tag) =	ssettag $0x2  }
0x1f0: {  	s0 =	rddreg [dreg:$0x0];
	s2 =	stileid.u32  }
0x1f1: {  	s1 =	rddreg [dreg:$0x1];
	p0 =	sne.s32 s2, $0x0  }
0x1f2: {  	s3 =	rddreg [dreg:$0x2];
	[bflag:$0x3] =	sbarrier.arrive $0xFFFF;
	s2 =	simm.s32 @!p0 $0x1C03  }
0x1f3: {  	[timem:s3], [sflag:s2] =	dma.local @!p0 [hbm:s0], s1  }
0x1f4: {  	s0 =	simm.s32 @!p0 $0x3  }
0x1f5: {  	_ =	swait.ge @!p0 [sflag:s0], s1  }
0x1f6: {  	s1 =	ssub.s32 @!p0 $0x0, s1;
	[sflag:s0] =	ssyncset.done @!p0 $0x0  }
0x1f7: {  	[sflag:s0] =	ssyncadd.s32 @!p0 s1  }
0x1f8: {  	[bflag:$0x3] =	sbarrier.arrive $0xFFFF  }
0x1f9: {  	_ =	shalt  }

</sc_bundles>
